<compile_context>
chip_gen: v7x
topology: tpu7x:2x2x1
jax: 0.10.2.dev20260603
libtpu: 0.0.44.dev20260713+nightly
codegen_flags: <defaults>
</compile_context>

<pallas_src>
import functools

import numpy as np
import jax
import jax.numpy as jnp
from jax import lax
from jax.experimental import pallas as pl
from jax.experimental.pallas import tpu as pltpu
from jax.experimental.pallas import tpu_sc as plsc

D_M = 64
L_SEQ = 200
ENC_BASE = 10000.0
G = 128
CH = 640
NG = CH // G


def _pos_table_np():
    pos = np.arange(L_SEQ, dtype=np.float32)[:, None]
    i = np.arange(D_M // 2, dtype=np.float32)[None, :]
    denoms = pos / np.power(np.float32(ENC_BASE), 2.0 * i / np.float32(D_M))
    mat = np.zeros((L_SEQ, D_M), dtype=np.float32)
    mat[:, 0::2] = np.sin(denoms)
    mat[:, 1::2] = np.cos(denoms)
    return mat


@functools.lru_cache(maxsize=None)
def _make_sc_kernel(BL, V):
    info = plsc.get_sparse_core_info()
    NC, NS, LANES = info.num_cores, info.num_subcores, info.num_lanes
    NW = NC * NS
    rows_per_w = BL // NW
    n_chunks = rows_per_w // CH
    n_idx_rows = rows_per_w // G

    mesh = plsc.VectorSubcoreMesh(core_axis_name="c", subcore_axis_name="s")

    @functools.partial(
        pl.kernel,
        mesh=mesh,
        compiler_params=pltpu.CompilerParams(use_tc_tiling_on_sc=False),
        out_type=jax.ShapeDtypeStruct((BL, D_M), jnp.float32),
        scratch_types=[
            pltpu.VMEM((n_idx_rows, G), jnp.int32),
            pltpu.VMEM((L_SEQ, D_M), jnp.float32),
            pltpu.VMEM((2, CH, D_M), jnp.float32),
            pltpu.SemaphoreType.DMA,
            pltpu.SemaphoreType.DMA,
            pltpu.SemaphoreType.DMA,
            pltpu.SemaphoreType.DMA,
        ],
    )
    def k(x_hbm, pos_hbm, table_hbm, out_hbm, idx_v, pos_v, rows_v,
          gsem0, gsem1, wsem0, wsem1):
        wid = lax.axis_index("s") * NC + lax.axis_index("c")
        pltpu.sync_copy(pos_hbm, pos_v)
        pltpu.sync_copy(x_hbm.at[pl.ds(wid * n_idx_rows, n_idx_rows)], idx_v)
        wbase = wid * rows_per_w

        def start_gathers(c, b, gsem):
            for j in range(NG):
                pltpu.async_copy(
                    table_hbm.at[idx_v.at[c * NG + j]],
                    rows_v.at[b, pl.ds(j * G, G)],
                    gsem,
                )

        def sub_step(c, b, gsem, wsem, gsem_n, wsem_n):
            pltpu.make_async_copy(
                out_hbm.at[pl.ds(wbase + c * CH, CH)], rows_v.at[b], gsem
            ).wait()

            @pl.when(c >= 1)
            def _():
                pltpu.make_async_copy(
                    rows_v.at[1 - b],
                    out_hbm.at[pl.ds(wbase + (c - 1) * CH, CH)],
                    wsem_n,
                ).wait()

            @pl.when(c + 1 < n_chunks)
            def _():
                start_gathers(c + 1, 1 - b, gsem_n)

            def add_quad(i, l):
                lvs = [l]
                for _ in range(3):
                    nl = lvs[-1] + 1
                    lvs.append(lax.select(nl == L_SEQ, 0, nl))
                vals = []
                for u in range(4):
                    for kk in range(D_M // LANES):
                        s = pl.ds(kk * LANES, LANES)
                        vals.append(
                            (4 * i + u, kk,
                             rows_v[b, 4 * i + u, s] + pos_v[lvs[u], s])
                        )
                for r, kk, v in vals:
                    rows_v[b, r, pl.ds(kk * LANES, LANES)] = v
                l = l + 4
                return lax.select(l >= L_SEQ, l - L_SEQ, l)

            l0 = lax.rem(c * CH, L_SEQ)
            lax.fori_loop(0, CH // 4, add_quad, l0)

            pltpu.async_copy(
                rows_v.at[b], out_hbm.at[pl.ds(wbase + c * CH, CH)], wsem
            )

        start_gathers(0, 0, gsem0)

        def pair_body(i, carry):
            sub_step(2 * i, 0, gsem0, wsem0, gsem1, wsem1)
            sub_step(2 * i + 1, 1, gsem1, wsem1, gsem0, wsem0)
            return carry

        lax.fori_loop(0, n_chunks // 2, pair_body, 0)

        pltpu.make_async_copy(
            rows_v.at[1],
            out_hbm.at[pl.ds(wbase + (n_chunks - 1) * CH, CH)],
            wsem1,
        ).wait()

    return k


def kernel(x, table):
    B, L = x.shape
    BL = B * L
    x2 = x.reshape(BL // G, G)
    pos = jnp.asarray(_pos_table_np())
    k = _make_sc_kernel(BL, table.shape[0])
    out = k(x2, pos, table)
    return out.reshape(B, L, D_M)

# --- scband reference (transcript-rebuilt; emitter-appended) ---
"""Pipeline reference for scband-sinusoidal-embedding-83030307766274 (READ-ONLY COPY).

The authoritative reference and input builder live on the scoring server;
editing this copy changes nothing except your own understanding.
"""

import jax, jax.numpy as jnp
import numpy as np

D_M = 64
VOCAB = 1000000
BASE = 10000
B = 4096
L = 200


def encode_position(seq_len, d_m, n):
    pos = jnp.arange(seq_len, dtype=jnp.float32)[:, None]  # [L, 1]
    i = jnp.arange(d_m // 2, dtype=jnp.float32)[None, :]   # [1, d_m//2]
    denoms = pos / (n ** (2.0 * i / d_m))                  # [L, d_m//2]
    mat = jnp.zeros((seq_len, d_m), dtype=jnp.float32)
    mat = mat.at[:, 0::2].set(jnp.sin(denoms))
    mat = mat.at[:, 1::2].set(jnp.cos(denoms))
    return mat


def setup_inputs(seed: int = 0) -> dict:
    key = jax.random.key(seed)
    k1, k2 = jax.random.split(key)
    x = jax.random.randint(k1, (B, L), 0, VOCAB, dtype=jnp.int64 if jax.config.read('jax_enable_x64') else jnp.int32).astype(jnp.int32)
    table = jax.random.normal(k2, (VOCAB, D_M), dtype=jnp.float32)
    return {"x": x, "table": table}


def reference(x, table):
    emb = jnp.take(table, x, axis=0)                # [B, L, d_m] gather
    pos = encode_position(emb.shape[1], D_M, BASE)  # [L, d_m]
    out = emb + pos[None, :, :]
    return out

if __name__ == "__main__":
    import jax
    _d = setup_inputs()
    print(jax.jit(kernel)(*tuple(_d.values())))

</pallas_src>

<mosaic_0001>
#map = affine_map<(d0, d1) -> (0, 0)>
module attributes {stable_mosaic.version = 14 : i64} {
  func.func @k(%arg0: i32, %arg1: i32, %arg2: memref<6400x128xi32, #tpu.memory_space<hbm>>, %arg3: memref<200x64xf32, #tpu.memory_space<hbm>>, %arg4: memref<1000000x64xf32, #tpu.memory_space<hbm>>, %arg5: memref<819200x64xf32, #tpu.memory_space<hbm>>, %arg6: memref<200x128xi32, #tpu.memory_space<vmem>>, %arg7: memref<200x64xf32, #tpu.memory_space<vmem>>, %arg8: memref<2x640x64xf32, #tpu.memory_space<vmem>>, %arg9: memref<!tpu.dma_semaphore, #tpu.memory_space<semaphore_mem>>, %arg10: memref<!tpu.dma_semaphore, #tpu.memory_space<semaphore_mem>>, %arg11: memref<!tpu.dma_semaphore, #tpu.memory_space<semaphore_mem>>, %arg12: memref<!tpu.dma_semaphore, #tpu.memory_space<semaphore_mem>>) attributes {dimension_semantics = [#tpu.dimension_semantics<core_parallel>, #tpu.dimension_semantics<subcore_parallel>], iteration_bounds = array<i64: 2, 16>, scalar_prefetch = 0 : i64, scratch_operands = 7 : i64, tpu.core_type = #tpu.core_type<sc_vector_subcore>, window_params = [{transform_indices = #map}, {transform_indices = #map}, {transform_indices = #map}, {transform_indices = #map}]} {
    %mul3A = arith.constant 2 : i32
    %mul3A_0 = arith.muli %arg1, %mul3A : i32
    %add3A = arith.addi %mul3A_0, %arg0 : i32
    "tpu.region"() ({
      %run_scoped3A = tpu.sem_alloc : memref<!tpu.dma_semaphore, #tpu.memory_space<semaphore_mem>>
      tpu.enqueue_dma source(%arg3 : memref<200x64xf32, #tpu.memory_space<hbm>>) target(%arg7 : memref<200x64xf32, #tpu.memory_space<vmem>>) target_semaphore(%run_scoped3A : memref<!tpu.dma_semaphore, #tpu.memory_space<semaphore_mem>>)
      tpu.wait_dma2 semaphore(%run_scoped3A : memref<!tpu.dma_semaphore, #tpu.memory_space<semaphore_mem>>) src(%arg3 : memref<200x64xf32, #tpu.memory_space<hbm>>) dst(%arg7 : memref<200x64xf32, #tpu.memory_space<vmem>>)
      tpu.yield
    }) : () -> ()
    %mul3A_1 = arith.constant 200 : i32
    %mul3A_2 = arith.muli %add3A, %mul3A_1 : i32
    "tpu.region"() ({
      %run_scoped3A = tpu.sem_alloc : memref<!tpu.dma_semaphore, #tpu.memory_space<semaphore_mem>>
      %dma_start3A_83 = arith.constant 0 : i32
      %dma_start3A_84 = tpu.memref_slice %arg2[%mul3A_2, %dma_start3A_83] : memref<6400x128xi32, #tpu.memory_space<hbm>> -> memref<200x128xi32, #tpu.memory_space<hbm>>
      %dma_start3A_85 = arith.constant 0 : i32
      %dma_start3A_86 = tpu.memref_slice %arg2[%mul3A_2, %dma_start3A_85] : memref<6400x128xi32, #tpu.memory_space<hbm>> -> memref<200x128xi32, #tpu.memory_space<hbm>>
      tpu.enqueue_dma source(%dma_start3A_86 : memref<200x128xi32, #tpu.memory_space<hbm>>) target(%arg6 : memref<200x128xi32, #tpu.memory_space<vmem>>) target_semaphore(%run_scoped3A : memref<!tpu.dma_semaphore, #tpu.memory_space<semaphore_mem>>)
      %dma_wait3A_87 = arith.constant 0 : i32
      %dma_wait3A_88 = tpu.memref_slice %arg2[%mul3A_2, %dma_wait3A_87] : memref<6400x128xi32, #tpu.memory_space<hbm>> -> memref<200x128xi32, #tpu.memory_space<hbm>>
      %dma_wait3A_89 = arith.constant 0 : i32
      %dma_wait3A_90 = tpu.memref_slice %arg2[%mul3A_2, %dma_wait3A_89] : memref<6400x128xi32, #tpu.memory_space<hbm>> -> memref<200x128xi32, #tpu.memory_space<hbm>>
      tpu.wait_dma2 semaphore(%run_scoped3A : memref<!tpu.dma_semaphore, #tpu.memory_space<semaphore_mem>>) src(%dma_wait3A_90 : memref<200x128xi32, #tpu.memory_space<hbm>>) dst(%arg6 : memref<200x128xi32, #tpu.memory_space<vmem>>)
      tpu.yield
    }) : () -> ()
    %mul3A_3 = arith.constant 25600 : i32
    %mul3A_4 = arith.muli %add3A, %mul3A_3 : i32
    %dma_start3A = arith.constant 0 : i32
    %dma_start3A_5 = arith.constant 0 : i32
    %dma_start3A_6 = arith.constant 0 : i32
    %dma_start3A_7 = arith.constant 0 : i32
    %dma_start3A_8 = tpu.memref_slice %arg8[%dma_start3A_5, %dma_start3A_6, %dma_start3A_7] : memref<2x640x64xf32, #tpu.memory_space<vmem>> -> memref<1x128x64xf32, #tpu.memory_space<vmem>>
    %dma_start3A_9 = tpu.memref_squeeze %dma_start3A_8 : memref<1x128x64xf32, #tpu.memory_space<vmem>> -> memref<128x64xf32, #tpu.memory_space<vmem>>
    %dma_start3A_10 = arith.constant 0 : i32
    %dma_start3A_11 = tpu.memref_slice %arg6[%dma_start3A, %dma_start3A_10] : memref<200x128xi32, #tpu.memory_space<vmem>> -> memref<1x128xi32, #tpu.memory_space<vmem>>
    %dma_start3A_12 = tpu.memref_squeeze %dma_start3A_11 : memref<1x128xi32, #tpu.memory_space<vmem>> -> memref<128xi32, #tpu.memory_space<vmem>>
    %dma_start3A_13 = arith.constant 0 : i32
    %dma_start3A_14 = arith.constant 0 : i32
    %dma_start3A_15 = tpu.memref_slice %arg4[%dma_start3A_13, %dma_start3A_14] : memref<1000000x64xf32, #tpu.memory_space<hbm>> -> memref<1000000x64xf32, #tpu.memory_space<hbm>>
    tpu.enqueue_indirect_dma source(%dma_start3A_15 : memref<1000000x64xf32, #tpu.memory_space<hbm>>) target(%dma_start3A_9 : memref<128x64xf32, #tpu.memory_space<vmem>>) offsets(%dma_start3A_12 : memref<128xi32, #tpu.memory_space<vmem>>) semaphore(%arg9 : memref<!tpu.dma_semaphore, #tpu.memory_space<semaphore_mem>>)
    %dma_start3A_16 = arith.constant 1 : i32
    %dma_start3A_17 = arith.constant 0 : i32
    %dma_start3A_18 = arith.constant 128 : i32
    %dma_start3A_19 = arith.constant 0 : i32
    %dma_start3A_20 = tpu.memref_slice %arg8[%dma_start3A_17, %dma_start3A_18, %dma_start3A_19] : memref<2x640x64xf32, #tpu.memory_space<vmem>> -> memref<1x128x64xf32, #tpu.memory_space<vmem>>
    %dma_start3A_21 = tpu.memref_squeeze %dma_start3A_20 : memref<1x128x64xf32, #tpu.memory_space<vmem>> -> memref<128x64xf32, #tpu.memory_space<vmem>>
    %dma_start3A_22 = arith.constant 0 : i32
    %dma_start3A_23 = tpu.memref_slice %arg6[%dma_start3A_16, %dma_start3A_22] : memref<200x128xi32, #tpu.memory_space<vmem>> -> memref<1x128xi32, #tpu.memory_space<vmem>>
    %dma_start3A_24 = tpu.memref_squeeze %dma_start3A_23 : memref<1x128xi32, #tpu.memory_space<vmem>> -> memref<128xi32, #tpu.memory_space<vmem>>
    %dma_start3A_25 = arith.constant 0 : i32
    %dma_start3A_26 = arith.constant 0 : i32
    %dma_start3A_27 = tpu.memref_slice %arg4[%dma_start3A_25, %dma_start3A_26] : memref<1000000x64xf32, #tpu.memory_space<hbm>> -> memref<1000000x64xf32, #tpu.memory_space<hbm>>
    tpu.enqueue_indirect_dma source(%dma_start3A_27 : memref<1000000x64xf32, #tpu.memory_space<hbm>>) target(%dma_start3A_21 : memref<128x64xf32, #tpu.memory_space<vmem>>) offsets(%dma_start3A_24 : memref<128xi32, #tpu.memory_space<vmem>>) semaphore(%arg9 : memref<!tpu.dma_semaphore, #tpu.memory_space<semaphore_mem>>)
    %dma_start3A_28 = arith.constant 2 : i32
    %dma_start3A_29 = arith.constant 0 : i32
    %dma_start3A_30 = arith.constant 256 : i32
    %dma_start3A_31 = arith.constant 0 : i32
    %dma_start3A_32 = tpu.memref_slice %arg8[%dma_start3A_29, %dma_start3A_30, %dma_start3A_31] : memref<2x640x64xf32, #tpu.memory_space<vmem>> -> memref<1x128x64xf32, #tpu.memory_space<vmem>>
    %dma_start3A_33 = tpu.memref_squeeze %dma_start3A_32 : memref<1x128x64xf32, #tpu.memory_space<vmem>> -> memref<128x64xf32, #tpu.memory_space<vmem>>
    %dma_start3A_34 = arith.constant 0 : i32
    %dma_start3A_35 = tpu.memref_slice %arg6[%dma_start3A_28, %dma_start3A_34] : memref<200x128xi32, #tpu.memory_space<vmem>> -> memref<1x128xi32, #tpu.memory_space<vmem>>
    %dma_start3A_36 = tpu.memref_squeeze %dma_start3A_35 : memref<1x128xi32, #tpu.memory_space<vmem>> -> memref<128xi32, #tpu.memory_space<vmem>>
    %dma_start3A_37 = arith.constant 0 : i32
    %dma_start3A_38 = arith.constant 0 : i32
    %dma_start3A_39 = tpu.memref_slice %arg4[%dma_start3A_37, %dma_start3A_38] : memref<1000000x64xf32, #tpu.memory_space<hbm>> -> memref<1000000x64xf32, #tpu.memory_space<hbm>>
    tpu.enqueue_indirect_dma source(%dma_start3A_39 : memref<1000000x64xf32, #tpu.memory_space<hbm>>) target(%dma_start3A_33 : memref<128x64xf32, #tpu.memory_space<vmem>>) offsets(%dma_start3A_36 : memref<128xi32, #tpu.memory_space<vmem>>) semaphore(%arg9 : memref<!tpu.dma_semaphore, #tpu.memory_space<semaphore_mem>>)
    %dma_start3A_40 = arith.constant 3 : i32
    %dma_start3A_41 = arith.constant 0 : i32
    %dma_start3A_42 = arith.constant 384 : i32
    %dma_start3A_43 = arith.constant 0 : i32
    %dma_start3A_44 = tpu.memref_slice %arg8[%dma_start3A_41, %dma_start3A_42, %dma_start3A_43] : memref<2x640x64xf32, #tpu.memory_space<vmem>> -> memref<1x128x64xf32, #tpu.memory_space<vmem>>
    %dma_start3A_45 = tpu.memref_squeeze %dma_start3A_44 : memref<1x128x64xf32, #tpu.memory_space<vmem>> -> memref<128x64xf32, #tpu.memory_space<vmem>>
    %dma_start3A_46 = arith.constant 0 : i32
    %dma_start3A_47 = tpu.memref_slice %arg6[%dma_start3A_40, %dma_start3A_46] : memref<200x128xi32, #tpu.memory_space<vmem>> -> memref<1x128xi32, #tpu.memory_space<vmem>>
    %dma_start3A_48 = tpu.memref_squeeze %dma_start3A_47 : memref<1x128xi32, #tpu.memory_space<vmem>> -> memref<128xi32, #tpu.memory_space<vmem>>
    %dma_start3A_49 = arith.constant 0 : i32
    %dma_start3A_50 = arith.constant 0 : i32
    %dma_start3A_51 = tpu.memref_slice %arg4[%dma_start3A_49, %dma_start3A_50] : memref<1000000x64xf32, #tpu.memory_space<hbm>> -> memref<1000000x64xf32, #tpu.memory_space<hbm>>
    tpu.enqueue_indirect_dma source(%dma_start3A_51 : memref<1000000x64xf32, #tpu.memory_space<hbm>>) target(%dma_start3A_45 : memref<128x64xf32, #tpu.memory_space<vmem>>) offsets(%dma_start3A_48 : memref<128xi32, #tpu.memory_space<vmem>>) semaphore(%arg9 : memref<!tpu.dma_semaphore, #tpu.memory_space<semaphore_mem>>)
    %dma_start3A_52 = arith.constant 4 : i32
    %dma_start3A_53 = arith.constant 0 : i32
    %dma_start3A_54 = arith.constant 512 : i32
    %dma_start3A_55 = arith.constant 0 : i32
    %dma_start3A_56 = tpu.memref_slice %arg8[%dma_start3A_53, %dma_start3A_54, %dma_start3A_55] : memref<2x640x64xf32, #tpu.memory_space<vmem>> -> memref<1x128x64xf32, #tpu.memory_space<vmem>>
    %dma_start3A_57 = tpu.memref_squeeze %dma_start3A_56 : memref<1x128x64xf32, #tpu.memory_space<vmem>> -> memref<128x64xf32, #tpu.memory_space<vmem>>
    %dma_start3A_58 = arith.constant 0 : i32
    %dma_start3A_59 = tpu.memref_slice %arg6[%dma_start3A_52, %dma_start3A_58] : memref<200x128xi32, #tpu.memory_space<vmem>> -> memref<1x128xi32, #tpu.memory_space<vmem>>
    %dma_start3A_60 = tpu.memref_squeeze %dma_start3A_59 : memref<1x128xi32, #tpu.memory_space<vmem>> -> memref<128xi32, #tpu.memory_space<vmem>>
    %dma_start3A_61 = arith.constant 0 : i32
    %dma_start3A_62 = arith.constant 0 : i32
    %dma_start3A_63 = tpu.memref_slice %arg4[%dma_start3A_61, %dma_start3A_62] : memref<1000000x64xf32, #tpu.memory_space<hbm>> -> memref<1000000x64xf32, #tpu.memory_space<hbm>>
    tpu.enqueue_indirect_dma source(%dma_start3A_63 : memref<1000000x64xf32, #tpu.memory_space<hbm>>) target(%dma_start3A_57 : memref<128x64xf32, #tpu.memory_space<vmem>>) offsets(%dma_start3A_60 : memref<128xi32, #tpu.memory_space<vmem>>) semaphore(%arg9 : memref<!tpu.dma_semaphore, #tpu.memory_space<semaphore_mem>>)
    %scan3A = arith.constant 0 : i32
    %scan3A_64 = arith.constant 0 : i32
    %scan3A_65 = arith.constant 20 : i32
    %scan3A_66 = arith.addi %scan3A_64, %scan3A_65 : i32
    %scan3A_67 = arith.constant 1 : i32
    scf.for %scan3A_83 = %scan3A_64 to %scan3A_66 step %scan3A_67  : i32 {
      %mul3A_84 = arith.constant 2 : i32
      %mul3A_85 = arith.muli %mul3A_84, %scan3A_83 : i32
      %mul3A_86 = arith.constant 640 : i32
      %mul3A_87 = arith.muli %mul3A_85, %mul3A_86 : i32
      %add3A_88 = arith.addi %mul3A_4, %mul3A_87 : i32
      %dma_wait3A_89 = arith.constant 0 : i32
      %dma_wait3A_90 = arith.constant 0 : i32
      %dma_wait3A_91 = arith.constant 0 : i32
      %dma_wait3A_92 = tpu.memref_slice %arg8[%dma_wait3A_89, %dma_wait3A_90, %dma_wait3A_91] : memref<2x640x64xf32, #tpu.memory_space<vmem>> -> memref<1x640x64xf32, #tpu.memory_space<vmem>>
      %dma_wait3A_93 = tpu.memref_squeeze %dma_wait3A_92 : memref<1x640x64xf32, #tpu.memory_space<vmem>> -> memref<640x64xf32, #tpu.memory_space<vmem>>
      %dma_wait3A_94 = arith.constant 0 : i32
      %dma_wait3A_95 = tpu.memref_slice %arg5[%add3A_88, %dma_wait3A_94] : memref<819200x64xf32, #tpu.memory_space<hbm>> -> memref<640x64xf32, #tpu.memory_space<hbm>>
      %dma_wait3A_96 = arith.constant 0 : i32
      %dma_wait3A_97 = arith.constant 0 : i32
      %dma_wait3A_98 = tpu.memref_slice %arg8[%dma_wait3A_89, %dma_wait3A_96, %dma_wait3A_97] : memref<2x640x64xf32, #tpu.memory_space<vmem>> -> memref<1x640x64xf32, #tpu.memory_space<vmem>>
      %dma_wait3A_99 = tpu.memref_squeeze %dma_wait3A_98 : memref<1x640x64xf32, #tpu.memory_space<vmem>> -> memref<640x64xf32, #tpu.memory_space<vmem>>
      %dma_wait3A_100 = arith.constant 0 : i32
      %dma_wait3A_101 = tpu.memref_slice %arg5[%add3A_88, %dma_wait3A_100] : memref<819200x64xf32, #tpu.memory_space<hbm>> -> memref<640x64xf32, #tpu.memory_space<hbm>>
      tpu.wait_dma2 semaphore(%arg9 : memref<!tpu.dma_semaphore, #tpu.memory_space<semaphore_mem>>) src(%dma_wait3A_101 : memref<640x64xf32, #tpu.memory_space<hbm>>) dst(%dma_wait3A_99 : memref<640x64xf32, #tpu.memory_space<vmem>>)
      %ge3A = arith.constant 1 : i32
      %ge3A_102 = arith.cmpi sge, %mul3A_85, %ge3A : i32
      %convert_element_type3A = arith.extui %ge3A_102 : i1 to i32
      %cond3A = arith.constant 0 : i32
      %cond3A_103 = arith.cmpi ne, %convert_element_type3A, %cond3A : i32
      scf.if %cond3A_103 {
        %sub3A = arith.constant 1 : i32
        %sub3A_193 = arith.subi %mul3A_85, %sub3A : i32
        %mul3A_194 = arith.constant 640 : i32
        %mul3A_195 = arith.muli %sub3A_193, %mul3A_194 : i32
        %add3A_196 = arith.addi %mul3A_4, %mul3A_195 : i32
        %dma_wait3A_197 = arith.constant 1 : i32
        %dma_wait3A_198 = arith.constant 0 : i32
        %dma_wait3A_199 = arith.constant 0 : i32
        %dma_wait3A_200 = tpu.memref_slice %arg8[%dma_wait3A_197, %dma_wait3A_198, %dma_wait3A_199] : memref<2x640x64xf32, #tpu.memory_space<vmem>> -> memref<1x640x64xf32, #tpu.memory_space<vmem>>
        %dma_wait3A_201 = tpu.memref_squeeze %dma_wait3A_200 : memref<1x640x64xf32, #tpu.memory_space<vmem>> -> memref<640x64xf32, #tpu.memory_space<vmem>>
        %dma_wait3A_202 = arith.constant 0 : i32
        %dma_wait3A_203 = tpu.memref_slice %arg5[%add3A_196, %dma_wait3A_202] : memref<819200x64xf32, #tpu.memory_space<hbm>> -> memref<640x64xf32, #tpu.memory_space<hbm>>
        %dma_wait3A_204 = arith.constant 0 : i32
        %dma_wait3A_205 = tpu.memref_slice %arg5[%add3A_196, %dma_wait3A_204] : memref<819200x64xf32, #tpu.memory_space<hbm>> -> memref<640x64xf32, #tpu.memory_space<hbm>>
        %dma_wait3A_206 = arith.constant 0 : i32
        %dma_wait3A_207 = arith.constant 0 : i32
        %dma_wait3A_208 = tpu.memref_slice %arg8[%dma_wait3A_197, %dma_wait3A_206, %dma_wait3A_207] : memref<2x640x64xf32, #tpu.memory_space<vmem>> -> memref<1x640x64xf32, #tpu.memory_space<vmem>>
        %dma_wait3A_209 = tpu.memref_squeeze %dma_wait3A_208 : memref<1x640x64xf32, #tpu.memory_space<vmem>> -> memref<640x64xf32, #tpu.memory_space<vmem>>
        tpu.wait_dma2 semaphore(%arg12 : memref<!tpu.dma_semaphore, #tpu.memory_space<semaphore_mem>>) src(%dma_wait3A_209 : memref<640x64xf32, #tpu.memory_space<vmem>>) dst(%dma_wait3A_205 : memref<640x64xf32, #tpu.memory_space<hbm>>)
      } else {
      }
      %add3A_104 = arith.constant 1 : i32
      %add3A_105 = arith.addi %mul3A_85, %add3A_104 : i32
      %lt3A = arith.constant 40 : i32
      %lt3A_106 = arith.cmpi slt, %add3A_105, %lt3A : i32
      %convert_element_type3A_107 = arith.extui %lt3A_106 : i1 to i32
      %cond3A_108 = arith.constant 0 : i32
      %cond3A_109 = arith.cmpi ne, %convert_element_type3A_107, %cond3A_108 : i32
      scf.if %cond3A_109 {
        %add3A_193 = arith.constant 1 : i32
        %add3A_194 = arith.addi %mul3A_85, %add3A_193 : i32
        %mul3A_195 = arith.constant 5 : i32
        %mul3A_196 = arith.muli %add3A_194, %mul3A_195 : i32
        %add3A_197 = arith.constant 0 : i32
        %add3A_198 = arith.addi %mul3A_196, %add3A_197 : i32
        %dma_start3A_199 = arith.constant 1 : i32
        %dma_start3A_200 = arith.constant 0 : i32
        %dma_start3A_201 = arith.constant 0 : i32
        %dma_start3A_202 = tpu.memref_slice %arg8[%dma_start3A_199, %dma_start3A_200, %dma_start3A_201] : memref<2x640x64xf32, #tpu.memory_space<vmem>> -> memref<1x128x64xf32, #tpu.memory_space<vmem>>
        %dma_start3A_203 = tpu.memref_squeeze %dma_start3A_202 : memref<1x128x64xf32, #tpu.memory_space<vmem>> -> memref<128x64xf32, #tpu.memory_space<vmem>>
        %dma_start3A_204 = arith.constant 0 : i32
        %dma_start3A_205 = tpu.memref_slice %arg6[%add3A_198, %dma_start3A_204] : memref<200x128xi32, #tpu.memory_space<vmem>> -> memref<1x128xi32, #tpu.memory_space<vmem>>
        %dma_start3A_206 = tpu.memref_squeeze %dma_start3A_205 : memref<1x128xi32, #tpu.memory_space<vmem>> -> memref<128xi32, #tpu.memory_space<vmem>>
        %dma_start3A_207 = arith.constant 0 : i32
        %dma_start3A_208 = arith.constant 0 : i32
        %dma_start3A_209 = tpu.memref_slice %arg4[%dma_start3A_207, %dma_start3A_208] : memref<1000000x64xf32, #tpu.memory_space<hbm>> -> memref<1000000x64xf32, #tpu.memory_space<hbm>>
        tpu.enqueue_indirect_dma source(%dma_start3A_209 : memref<1000000x64xf32, #tpu.memory_space<hbm>>) target(%dma_start3A_203 : memref<128x64xf32, #tpu.memory_space<vmem>>) offsets(%dma_start3A_206 : memref<128xi32, #tpu.memory_space<vmem>>) semaphore(%arg10 : memref<!tpu.dma_semaphore, #tpu.memory_space<semaphore_mem>>)
        %mul3A_210 = arith.constant 5 : i32
        %mul3A_211 = arith.muli %add3A_194, %mul3A_210 : i32
        %add3A_212 = arith.constant 1 : i32
        %add3A_213 = arith.addi %mul3A_211, %add3A_212 : i32
        %dma_start3A_214 = arith.constant 1 : i32
        %dma_start3A_215 = arith.constant 128 : i32
        %dma_start3A_216 = arith.constant 0 : i32
        %dma_start3A_217 = tpu.memref_slice %arg8[%dma_start3A_214, %dma_start3A_215, %dma_start3A_216] : memref<2x640x64xf32, #tpu.memory_space<vmem>> -> memref<1x128x64xf32, #tpu.memory_space<vmem>>
        %dma_start3A_218 = tpu.memref_squeeze %dma_start3A_217 : memref<1x128x64xf32, #tpu.memory_space<vmem>> -> memref<128x64xf32, #tpu.memory_space<vmem>>
        %dma_start3A_219 = arith.constant 0 : i32
        %dma_start3A_220 = tpu.memref_slice %arg6[%add3A_213, %dma_start3A_219] : memref<200x128xi32, #tpu.memory_space<vmem>> -> memref<1x128xi32, #tpu.memory_space<vmem>>
        %dma_start3A_221 = tpu.memref_squeeze %dma_start3A_220 : memref<1x128xi32, #tpu.memory_space<vmem>> -> memref<128xi32, #tpu.memory_space<vmem>>
        %dma_start3A_222 = arith.constant 0 : i32
        %dma_start3A_223 = arith.constant 0 : i32
        %dma_start3A_224 = tpu.memref_slice %arg4[%dma_start3A_222, %dma_start3A_223] : memref<1000000x64xf32, #tpu.memory_space<hbm>> -> memref<1000000x64xf32, #tpu.memory_space<hbm>>
        tpu.enqueue_indirect_dma source(%dma_start3A_224 : memref<1000000x64xf32, #tpu.memory_space<hbm>>) target(%dma_start3A_218 : memref<128x64xf32, #tpu.memory_space<vmem>>) offsets(%dma_start3A_221 : memref<128xi32, #tpu.memory_space<vmem>>) semaphore(%arg10 : memref<!tpu.dma_semaphore, #tpu.memory_space<semaphore_mem>>)
        %mul3A_225 = arith.constant 5 : i32
        %mul3A_226 = arith.muli %add3A_194, %mul3A_225 : i32
        %add3A_227 = arith.constant 2 : i32
        %add3A_228 = arith.addi %mul3A_226, %add3A_227 : i32
        %dma_start3A_229 = arith.constant 1 : i32
        %dma_start3A_230 = arith.constant 256 : i32
        %dma_start3A_231 = arith.constant 0 : i32
        %dma_start3A_232 = tpu.memref_slice %arg8[%dma_start3A_229, %dma_start3A_230, %dma_start3A_231] : memref<2x640x64xf32, #tpu.memory_space<vmem>> -> memref<1x128x64xf32, #tpu.memory_space<vmem>>
        %dma_start3A_233 = tpu.memref_squeeze %dma_start3A_232 : memref<1x128x64xf32, #tpu.memory_space<vmem>> -> memref<128x64xf32, #tpu.memory_space<vmem>>
        %dma_start3A_234 = arith.constant 0 : i32
        %dma_start3A_235 = tpu.memref_slice %arg6[%add3A_228, %dma_start3A_234] : memref<200x128xi32, #tpu.memory_space<vmem>> -> memref<1x128xi32, #tpu.memory_space<vmem>>
        %dma_start3A_236 = tpu.memref_squeeze %dma_start3A_235 : memref<1x128xi32, #tpu.memory_space<vmem>> -> memref<128xi32, #tpu.memory_space<vmem>>
        %dma_start3A_237 = arith.constant 0 : i32
        %dma_start3A_238 = arith.constant 0 : i32
        %dma_start3A_239 = tpu.memref_slice %arg4[%dma_start3A_237, %dma_start3A_238] : memref<1000000x64xf32, #tpu.memory_space<hbm>> -> memref<1000000x64xf32, #tpu.memory_space<hbm>>
        tpu.enqueue_indirect_dma source(%dma_start3A_239 : memref<1000000x64xf32, #tpu.memory_space<hbm>>) target(%dma_start3A_233 : memref<128x64xf32, #tpu.memory_space<vmem>>) offsets(%dma_start3A_236 : memref<128xi32, #tpu.memory_space<vmem>>) semaphore(%arg10 : memref<!tpu.dma_semaphore, #tpu.memory_space<semaphore_mem>>)
        %mul3A_240 = arith.constant 5 : i32
        %mul3A_241 = arith.muli %add3A_194, %mul3A_240 : i32
        %add3A_242 = arith.constant 3 : i32
        %add3A_243 = arith.addi %mul3A_241, %add3A_242 : i32
        %dma_start3A_244 = arith.constant 1 : i32
        %dma_start3A_245 = arith.constant 384 : i32
        %dma_start3A_246 = arith.constant 0 : i32
        %dma_start3A_247 = tpu.memref_slice %arg8[%dma_start3A_244, %dma_start3A_245, %dma_start3A_246] : memref<2x640x64xf32, #tpu.memory_space<vmem>> -> memref<1x128x64xf32, #tpu.memory_space<vmem>>
        %dma_start3A_248 = tpu.memref_squeeze %dma_start3A_247 : memref<1x128x64xf32, #tpu.memory_space<vmem>> -> memref<128x64xf32, #tpu.memory_space<vmem>>
        %dma_start3A_249 = arith.constant 0 : i32
        %dma_start3A_250 = tpu.memref_slice %arg6[%add3A_243, %dma_start3A_249] : memref<200x128xi32, #tpu.memory_space<vmem>> -> memref<1x128xi32, #tpu.memory_space<vmem>>
        %dma_start3A_251 = tpu.memref_squeeze %dma_start3A_250 : memref<1x128xi32, #tpu.memory_space<vmem>> -> memref<128xi32, #tpu.memory_space<vmem>>
        %dma_start3A_252 = arith.constant 0 : i32
        %dma_start3A_253 = arith.constant 0 : i32
        %dma_start3A_254 = tpu.memref_slice %arg4[%dma_start3A_252, %dma_start3A_253] : memref<1000000x64xf32, #tpu.memory_space<hbm>> -> memref<1000000x64xf32, #tpu.memory_space<hbm>>
        tpu.enqueue_indirect_dma source(%dma_start3A_254 : memref<1000000x64xf32, #tpu.memory_space<hbm>>) target(%dma_start3A_248 : memref<128x64xf32, #tpu.memory_space<vmem>>) offsets(%dma_start3A_251 : memref<128xi32, #tpu.memory_space<vmem>>) semaphore(%arg10 : memref<!tpu.dma_semaphore, #tpu.memory_space<semaphore_mem>>)
        %mul3A_255 = arith.constant 5 : i32
        %mul3A_256 = arith.muli %add3A_194, %mul3A_255 : i32
        %add3A_257 = arith.constant 4 : i32
        %add3A_258 = arith.addi %mul3A_256, %add3A_257 : i32
        %dma_start3A_259 = arith.constant 1 : i32
        %dma_start3A_260 = arith.constant 512 : i32
        %dma_start3A_261 = arith.constant 0 : i32
        %dma_start3A_262 = tpu.memref_slice %arg8[%dma_start3A_259, %dma_start3A_260, %dma_start3A_261] : memref<2x640x64xf32, #tpu.memory_space<vmem>> -> memref<1x128x64xf32, #tpu.memory_space<vmem>>
        %dma_start3A_263 = tpu.memref_squeeze %dma_start3A_262 : memref<1x128x64xf32, #tpu.memory_space<vmem>> -> memref<128x64xf32, #tpu.memory_space<vmem>>
        %dma_start3A_264 = arith.constant 0 : i32
        %dma_start3A_265 = tpu.memref_slice %arg6[%add3A_258, %dma_start3A_264] : memref<200x128xi32, #tpu.memory_space<vmem>> -> memref<1x128xi32, #tpu.memory_space<vmem>>
        %dma_start3A_266 = tpu.memref_squeeze %dma_start3A_265 : memref<1x128xi32, #tpu.memory_space<vmem>> -> memref<128xi32, #tpu.memory_space<vmem>>
        %dma_start3A_267 = arith.constant 0 : i32
        %dma_start3A_268 = arith.constant 0 : i32
        %dma_start3A_269 = tpu.memref_slice %arg4[%dma_start3A_267, %dma_start3A_268] : memref<1000000x64xf32, #tpu.memory_space<hbm>> -> memref<1000000x64xf32, #tpu.memory_space<hbm>>
        tpu.enqueue_indirect_dma source(%dma_start3A_269 : memref<1000000x64xf32, #tpu.memory_space<hbm>>) target(%dma_start3A_263 : memref<128x64xf32, #tpu.memory_space<vmem>>) offsets(%dma_start3A_266 : memref<128xi32, #tpu.memory_space<vmem>>) semaphore(%arg10 : memref<!tpu.dma_semaphore, #tpu.memory_space<semaphore_mem>>)
      } else {
      }
      %mul3A_110 = arith.constant 640 : i32
      %mul3A_111 = arith.muli %mul3A_85, %mul3A_110 : i32
      %rem3A = arith.constant 200 : i32
      %rem3A_112 = arith.remsi %mul3A_111, %rem3A : i32
      %scan3A_113 = arith.constant 0 : i32
      %scan3A_114 = arith.constant 160 : i32
      %scan3A_115 = arith.addi %scan3A_113, %scan3A_114 : i32
      %scan3A_116 = arith.constant 1 : i32
      %scan3A_117 = scf.for %scan3A_193 = %scan3A_113 to %scan3A_115 step %scan3A_116 iter_args(%scan3A_194 = %rem3A_112) -> (i32)  : i32 {
        %add3A_195 = arith.constant 1 : i32
        %add3A_196 = arith.addi %scan3A_194, %add3A_195 : i32
        %eq3A = arith.constant 200 : i32
        %eq3A_197 = arith.cmpi eq, %add3A_196, %eq3A : i32
        %select_n3A = arith.constant 0 : i32
        %select_n3A_198 = arith.select %eq3A_197, %select_n3A, %add3A_196 : i32
        %add3A_199 = arith.constant 1 : i32
        %add3A_200 = arith.addi %select_n3A_198, %add3A_199 : i32
        %eq3A_201 = arith.constant 200 : i32
        %eq3A_202 = arith.cmpi eq, %add3A_200, %eq3A_201 : i32
        %select_n3A_203 = arith.constant 0 : i32
        %select_n3A_204 = arith.select %eq3A_202, %select_n3A_203, %add3A_200 : i32
        %add3A_205 = arith.constant 1 : i32
        %add3A_206 = arith.addi %select_n3A_204, %add3A_205 : i32
        %eq3A_207 = arith.constant 200 : i32
        %eq3A_208 = arith.cmpi eq, %add3A_206, %eq3A_207 : i32
        %select_n3A_209 = arith.constant 0 : i32
        %select_n3A_210 = arith.select %eq3A_208, %select_n3A_209, %add3A_206 : i32
        %mul3A_211 = arith.constant 4 : i32
        %mul3A_212 = arith.muli %mul3A_211, %scan3A_193 : i32
        %add3A_213 = arith.constant 0 : i32
        %add3A_214 = arith.addi %mul3A_212, %add3A_213 : i32
        %mul3A_215 = arith.constant 4 : i32
        %mul3A_216 = arith.muli %mul3A_215, %scan3A_193 : i32
        %add3A_217 = arith.constant 0 : i32
        %add3A_218 = arith.addi %mul3A_216, %add3A_217 : i32
        %get3A = arith.constant 0 : i32
        %get3A_219 = arith.index_cast %get3A : i32 to index
        %get3A_220 = arith.index_cast %add3A_218 : i32 to index
        %get3A_221 = arith.constant 0 : index
        %get3A_222 = tpu.vector_load %arg8[%get3A_219, %get3A_220, %get3A_221] {strides = array<i32>} : memref<2x640x64xf32, #tpu.memory_space<vmem>>, vector<1x1x16xf32>,
        %get3A_223 = vector.shape_cast %get3A_222 : vector<1x1x16xf32> to vector<16xf32>
        %get3A_224 = arith.index_cast %scan3A_194 : i32 to index
        %get3A_225 = arith.constant 0 : index
        %get3A_226 = tpu.vector_load %arg7[%get3A_224, %get3A_225] {strides = array<i32>} : memref<200x64xf32, #tpu.memory_space<vmem>>, vector<1x16xf32>,
        %get3A_227 = vector.shape_cast %get3A_226 : vector<1x16xf32> to vector<16xf32>
        %add3A_228 = arith.addf %get3A_223, %get3A_227 : vector<16xf32>
        %mul3A_229 = arith.constant 4 : i32
        %mul3A_230 = arith.muli %mul3A_229, %scan3A_193 : i32
        %add3A_231 = arith.constant 0 : i32
        %add3A_232 = arith.addi %mul3A_230, %add3A_231 : i32
        %mul3A_233 = arith.constant 4 : i32
        %mul3A_234 = arith.muli %mul3A_233, %scan3A_193 : i32
        %add3A_235 = arith.constant 0 : i32
        %add3A_236 = arith.addi %mul3A_234, %add3A_235 : i32
        %get3A_237 = arith.constant 0 : i32
        %get3A_238 = arith.index_cast %get3A_237 : i32 to index
        %get3A_239 = arith.index_cast %add3A_236 : i32 to index
        %get3A_240 = arith.constant 16 : index
        %get3A_241 = tpu.vector_load %arg8[%get3A_238, %get3A_239, %get3A_240] {strides = array<i32>} : memref<2x640x64xf32, #tpu.memory_space<vmem>>, vector<1x1x16xf32>,
        %get3A_242 = vector.shape_cast %get3A_241 : vector<1x1x16xf32> to vector<16xf32>
        %get3A_243 = arith.index_cast %scan3A_194 : i32 to index
        %get3A_244 = arith.constant 16 : index
        %get3A_245 = tpu.vector_load %arg7[%get3A_243, %get3A_244] {strides = array<i32>} : memref<200x64xf32, #tpu.memory_space<vmem>>, vector<1x16xf32>,
        %get3A_246 = vector.shape_cast %get3A_245 : vector<1x16xf32> to vector<16xf32>
        %add3A_247 = arith.addf %get3A_242, %get3A_246 : vector<16xf32>
        %mul3A_248 = arith.constant 4 : i32
        %mul3A_249 = arith.muli %mul3A_248, %scan3A_193 : i32
        %add3A_250 = arith.constant 0 : i32
        %add3A_251 = arith.addi %mul3A_249, %add3A_250 : i32
        %mul3A_252 = arith.constant 4 : i32
        %mul3A_253 = arith.muli %mul3A_252, %scan3A_193 : i32
        %add3A_254 = arith.constant 0 : i32
        %add3A_255 = arith.addi %mul3A_253, %add3A_254 : i32
        %get3A_256 = arith.constant 0 : i32
        %get3A_257 = arith.index_cast %get3A_256 : i32 to index
        %get3A_258 = arith.index_cast %add3A_255 : i32 to index
        %get3A_259 = arith.constant 32 : index
        %get3A_260 = tpu.vector_load %arg8[%get3A_257, %get3A_258, %get3A_259] {strides = array<i32>} : memref<2x640x64xf32, #tpu.memory_space<vmem>>, vector<1x1x16xf32>,
        %get3A_261 = vector.shape_cast %get3A_260 : vector<1x1x16xf32> to vector<16xf32>
        %get3A_262 = arith.index_cast %scan3A_194 : i32 to index
        %get3A_263 = arith.constant 32 : index
        %get3A_264 = tpu.vector_load %arg7[%get3A_262, %get3A_263] {strides = array<i32>} : memref<200x64xf32, #tpu.memory_space<vmem>>, vector<1x16xf32>,
        %get3A_265 = vector.shape_cast %get3A_264 : vector<1x16xf32> to vector<16xf32>
        %add3A_266 = arith.addf %get3A_261, %get3A_265 : vector<16xf32>
        %mul3A_267 = arith.constant 4 : i32
        %mul3A_268 = arith.muli %mul3A_267, %scan3A_193 : i32
        %add3A_269 = arith.constant 0 : i32
        %add3A_270 = arith.addi %mul3A_268, %add3A_269 : i32
        %mul3A_271 = arith.constant 4 : i32
        %mul3A_272 = arith.muli %mul3A_271, %scan3A_193 : i32
        %add3A_273 = arith.constant 0 : i32
        %add3A_274 = arith.addi %mul3A_272, %add3A_273 : i32
        %get3A_275 = arith.constant 0 : i32
        %get3A_276 = arith.index_cast %get3A_275 : i32 to index
        %get3A_277 = arith.index_cast %add3A_274 : i32 to index
        %get3A_278 = arith.constant 48 : index
        %get3A_279 = tpu.vector_load %arg8[%get3A_276, %get3A_277, %get3A_278] {strides = array<i32>} : memref<2x640x64xf32, #tpu.memory_space<vmem>>, vector<1x1x16xf32>,
        %get3A_280 = vector.shape_cast %get3A_279 : vector<1x1x16xf32> to vector<16xf32>
        %get3A_281 = arith.index_cast %scan3A_194 : i32 to index
        %get3A_282 = arith.constant 48 : index
        %get3A_283 = tpu.vector_load %arg7[%get3A_281, %get3A_282] {strides = array<i32>} : memref<200x64xf32, #tpu.memory_space<vmem>>, vector<1x16xf32>,
        %get3A_284 = vector.shape_cast %get3A_283 : vector<1x16xf32> to vector<16xf32>
        %add3A_285 = arith.addf %get3A_280, %get3A_284 : vector<16xf32>
        %mul3A_286 = arith.constant 4 : i32
        %mul3A_287 = arith.muli %mul3A_286, %scan3A_193 : i32
        %add3A_288 = arith.constant 1 : i32
        %add3A_289 = arith.addi %mul3A_287, %add3A_288 : i32
        %mul3A_290 = arith.constant 4 : i32
        %mul3A_291 = arith.muli %mul3A_290, %scan3A_193 : i32
        %add3A_292 = arith.constant 1 : i32
        %add3A_293 = arith.addi %mul3A_291, %add3A_292 : i32
        %get3A_294 = arith.constant 0 : i32
        %get3A_295 = arith.index_cast %get3A_294 : i32 to index
        %get3A_296 = arith.index_cast %add3A_293 : i32 to index
        %get3A_297 = arith.constant 0 : index
        %get3A_298 = tpu.vector_load %arg8[%get3A_295, %get3A_296, %get3A_297] {strides = array<i32>} : memref<2x640x64xf32, #tpu.memory_space<vmem>>, vector<1x1x16xf32>,
        %get3A_299 = vector.shape_cast %get3A_298 : vector<1x1x16xf32> to vector<16xf32>
        %get3A_300 = arith.index_cast %select_n3A_198 : i32 to index
        %get3A_301 = arith.constant 0 : index
        %get3A_302 = tpu.vector_load %arg7[%get3A_300, %get3A_301] {strides = array<i32>} : memref<200x64xf32, #tpu.memory_space<vmem>>, vector<1x16xf32>,
        %get3A_303 = vector.shape_cast %get3A_302 : vector<1x16xf32> to vector<16xf32>
        %add3A_304 = arith.addf %get3A_299, %get3A_303 : vector<16xf32>
        %mul3A_305 = arith.constant 4 : i32
        %mul3A_306 = arith.muli %mul3A_305, %scan3A_193 : i32
        %add3A_307 = arith.constant 1 : i32
        %add3A_308 = arith.addi %mul3A_306, %add3A_307 : i32
        %mul3A_309 = arith.constant 4 : i32
        %mul3A_310 = arith.muli %mul3A_309, %scan3A_193 : i32
        %add3A_311 = arith.constant 1 : i32
        %add3A_312 = arith.addi %mul3A_310, %add3A_311 : i32
        %get3A_313 = arith.constant 0 : i32
        %get3A_314 = arith.index_cast %get3A_313 : i32 to index
        %get3A_315 = arith.index_cast %add3A_312 : i32 to index
        %get3A_316 = arith.constant 16 : index
        %get3A_317 = tpu.vector_load %arg8[%get3A_314, %get3A_315, %get3A_316] {strides = array<i32>} : memref<2x640x64xf32, #tpu.memory_space<vmem>>, vector<1x1x16xf32>,
        %get3A_318 = vector.shape_cast %get3A_317 : vector<1x1x16xf32> to vector<16xf32>
        %get3A_319 = arith.index_cast %select_n3A_198 : i32 to index
        %get3A_320 = arith.constant 16 : index
        %get3A_321 = tpu.vector_load %arg7[%get3A_319, %get3A_320] {strides = array<i32>} : memref<200x64xf32, #tpu.memory_space<vmem>>, vector<1x16xf32>,
        %get3A_322 = vector.shape_cast %get3A_321 : vector<1x16xf32> to vector<16xf32>
        %add3A_323 = arith.addf %get3A_318, %get3A_322 : vector<16xf32>
        %mul3A_324 = arith.constant 4 : i32
        %mul3A_325 = arith.muli %mul3A_324, %scan3A_193 : i32
        %add3A_326 = arith.constant 1 : i32
        %add3A_327 = arith.addi %mul3A_325, %add3A_326 : i32
        %mul3A_328 = arith.constant 4 : i32
        %mul3A_329 = arith.muli %mul3A_328, %scan3A_193 : i32
        %add3A_330 = arith.constant 1 : i32
        %add3A_331 = arith.addi %mul3A_329, %add3A_330 : i32
        %get3A_332 = arith.constant 0 : i32
        %get3A_333 = arith.index_cast %get3A_332 : i32 to index
        %get3A_334 = arith.index_cast %add3A_331 : i32 to index
        %get3A_335 = arith.constant 32 : index
        %get3A_336 = tpu.vector_load %arg8[%get3A_333, %get3A_334, %get3A_335] {strides = array<i32>} : memref<2x640x64xf32, #tpu.memory_space<vmem>>, vector<1x1x16xf32>,
        %get3A_337 = vector.shape_cast %get3A_336 : vector<1x1x16xf32> to vector<16xf32>
        %get3A_338 = arith.index_cast %select_n3A_198 : i32 to index
        %get3A_339 = arith.constant 32 : index
        %get3A_340 = tpu.vector_load %arg7[%get3A_338, %get3A_339] {strides = array<i32>} : memref<200x64xf32, #tpu.memory_space<vmem>>, vector<1x16xf32>,
        %get3A_341 = vector.shape_cast %get3A_340 : vector<1x16xf32> to vector<16xf32>
        %add3A_342 = arith.addf %get3A_337, %get3A_341 : vector<16xf32>
        %mul3A_343 = arith.constant 4 : i32
        %mul3A_344 = arith.muli %mul3A_343, %scan3A_193 : i32
        %add3A_345 = arith.constant 1 : i32
        %add3A_346 = arith.addi %mul3A_344, %add3A_345 : i32
        %mul3A_347 = arith.constant 4 : i32
        %mul3A_348 = arith.muli %mul3A_347, %scan3A_193 : i32
        %add3A_349 = arith.constant 1 : i32
        %add3A_350 = arith.addi %mul3A_348, %add3A_349 : i32
        %get3A_351 = arith.constant 0 : i32
        %get3A_352 = arith.index_cast %get3A_351 : i32 to index
        %get3A_353 = arith.index_cast %add3A_350 : i32 to index
        %get3A_354 = arith.constant 48 : index
        %get3A_355 = tpu.vector_load %arg8[%get3A_352, %get3A_353, %get3A_354] {strides = array<i32>} : memref<2x640x64xf32, #tpu.memory_space<vmem>>, vector<1x1x16xf32>,
        %get3A_356 = vector.shape_cast %get3A_355 : vector<1x1x16xf32> to vector<16xf32>
        %get3A_357 = arith.index_cast %select_n3A_198 : i32 to index
        %get3A_358 = arith.constant 48 : index
        %get3A_359 = tpu.vector_load %arg7[%get3A_357, %get3A_358] {strides = array<i32>} : memref<200x64xf32, #tpu.memory_space<vmem>>, vector<1x16xf32>,
        %get3A_360 = vector.shape_cast %get3A_359 : vector<1x16xf32> to vector<16xf32>
        %add3A_361 = arith.addf %get3A_356, %get3A_360 : vector<16xf32>
        %mul3A_362 = arith.constant 4 : i32
        %mul3A_363 = arith.muli %mul3A_362, %scan3A_193 : i32
        %add3A_364 = arith.constant 2 : i32
        %add3A_365 = arith.addi %mul3A_363, %add3A_364 : i32
        %mul3A_366 = arith.constant 4 : i32
        %mul3A_367 = arith.muli %mul3A_366, %scan3A_193 : i32
        %add3A_368 = arith.constant 2 : i32
        %add3A_369 = arith.addi %mul3A_367, %add3A_368 : i32
        %get3A_370 = arith.constant 0 : i32
        %get3A_371 = arith.index_cast %get3A_370 : i32 to index
        %get3A_372 = arith.index_cast %add3A_369 : i32 to index
        %get3A_373 = arith.constant 0 : index
        %get3A_374 = tpu.vector_load %arg8[%get3A_371, %get3A_372, %get3A_373] {strides = array<i32>} : memref<2x640x64xf32, #tpu.memory_space<vmem>>, vector<1x1x16xf32>,
        %get3A_375 = vector.shape_cast %get3A_374 : vector<1x1x16xf32> to vector<16xf32>
        %get3A_376 = arith.index_cast %select_n3A_204 : i32 to index
        %get3A_377 = arith.constant 0 : index
        %get3A_378 = tpu.vector_load %arg7[%get3A_376, %get3A_377] {strides = array<i32>} : memref<200x64xf32, #tpu.memory_space<vmem>>, vector<1x16xf32>,
        %get3A_379 = vector.shape_cast %get3A_378 : vector<1x16xf32> to vector<16xf32>
        %add3A_380 = arith.addf %get3A_375, %get3A_379 : vector<16xf32>
        %mul3A_381 = arith.constant 4 : i32
        %mul3A_382 = arith.muli %mul3A_381, %scan3A_193 : i32
        %add3A_383 = arith.constant 2 : i32
        %add3A_384 = arith.addi %mul3A_382, %add3A_383 : i32
        %mul3A_385 = arith.constant 4 : i32
        %mul3A_386 = arith.muli %mul3A_385, %scan3A_193 : i32
        %add3A_387 = arith.constant 2 : i32
        %add3A_388 = arith.addi %mul3A_386, %add3A_387 : i32
        %get3A_389 = arith.constant 0 : i32
        %get3A_390 = arith.index_cast %get3A_389 : i32 to index
        %get3A_391 = arith.index_cast %add3A_388 : i32 to index
        %get3A_392 = arith.constant 16 : index
        %get3A_393 = tpu.vector_load %arg8[%get3A_390, %get3A_391, %get3A_392] {strides = array<i32>} : memref<2x640x64xf32, #tpu.memory_space<vmem>>, vector<1x1x16xf32>,
        %get3A_394 = vector.shape_cast %get3A_393 : vector<1x1x16xf32> to vector<16xf32>
        %get3A_395 = arith.index_cast %select_n3A_204 : i32 to index
        %get3A_396 = arith.constant 16 : index
        %get3A_397 = tpu.vector_load %arg7[%get3A_395, %get3A_396] {strides = array<i32>} : memref<200x64xf32, #tpu.memory_space<vmem>>, vector<1x16xf32>,
        %get3A_398 = vector.shape_cast %get3A_397 : vector<1x16xf32> to vector<16xf32>
        %add3A_399 = arith.addf %get3A_394, %get3A_398 : vector<16xf32>
        %mul3A_400 = arith.constant 4 : i32
        %mul3A_401 = arith.muli %mul3A_400, %scan3A_193 : i32
        %add3A_402 = arith.constant 2 : i32
        %add3A_403 = arith.addi %mul3A_401, %add3A_402 : i32
        %mul3A_404 = arith.constant 4 : i32
        %mul3A_405 = arith.muli %mul3A_404, %scan3A_193 : i32
        %add3A_406 = arith.constant 2 : i32
        %add3A_407 = arith.addi %mul3A_405, %add3A_406 : i32
        %get3A_408 = arith.constant 0 : i32
        %get3A_409 = arith.index_cast %get3A_408 : i32 to index
        %get3A_410 = arith.index_cast %add3A_407 : i32 to index
        %get3A_411 = arith.constant 32 : index
        %get3A_412 = tpu.vector_load %arg8[%get3A_409, %get3A_410, %get3A_411] {strides = array<i32>} : memref<2x640x64xf32, #tpu.memory_space<vmem>>, vector<1x1x16xf32>,
        %get3A_413 = vector.shape_cast %get3A_412 : vector<1x1x16xf32> to vector<16xf32>
        %get3A_414 = arith.index_cast %select_n3A_204 : i32 to index
        %get3A_415 = arith.constant 32 : index
        %get3A_416 = tpu.vector_load %arg7[%get3A_414, %get3A_415] {strides = array<i32>} : memref<200x64xf32, #tpu.memory_space<vmem>>, vector<1x16xf32>,
        %get3A_417 = vector.shape_cast %get3A_416 : vector<1x16xf32> to vector<16xf32>
        %add3A_418 = arith.addf %get3A_413, %get3A_417 : vector<16xf32>
        %mul3A_419 = arith.constant 4 : i32
        %mul3A_420 = arith.muli %mul3A_419, %scan3A_193 : i32
        %add3A_421 = arith.constant 2 : i32
        %add3A_422 = arith.addi %mul3A_420, %add3A_421 : i32
        %mul3A_423 = arith.constant 4 : i32
        %mul3A_424 = arith.muli %mul3A_423, %scan3A_193 : i32
        %add3A_425 = arith.constant 2 : i32
        %add3A_426 = arith.addi %mul3A_424, %add3A_425 : i32
        %get3A_427 = arith.constant 0 : i32
        %get3A_428 = arith.index_cast %get3A_427 : i32 to index
        %get3A_429 = arith.index_cast %add3A_426 : i32 to index
        %get3A_430 = arith.constant 48 : index
        %get3A_431 = tpu.vector_load %arg8[%get3A_428, %get3A_429, %get3A_430] {strides = array<i32>} : memref<2x640x64xf32, #tpu.memory_space<vmem>>, vector<1x1x16xf32>,
        %get3A_432 = vector.shape_cast %get3A_431 : vector<1x1x16xf32> to vector<16xf32>
        %get3A_433 = arith.index_cast %select_n3A_204 : i32 to index
        %get3A_434 = arith.constant 48 : index
        %get3A_435 = tpu.vector_load %arg7[%get3A_433, %get3A_434] {strides = array<i32>} : memref<200x64xf32, #tpu.memory_space<vmem>>, vector<1x16xf32>,
        %get3A_436 = vector.shape_cast %get3A_435 : vector<1x16xf32> to vector<16xf32>
        %add3A_437 = arith.addf %get3A_432, %get3A_436 : vector<16xf32>
        %mul3A_438 = arith.constant 4 : i32
        %mul3A_439 = arith.muli %mul3A_438, %scan3A_193 : i32
        %add3A_440 = arith.constant 3 : i32
        %add3A_441 = arith.addi %mul3A_439, %add3A_440 : i32
        %mul3A_442 = arith.constant 4 : i32
        %mul3A_443 = arith.muli %mul3A_442, %scan3A_193 : i32
        %add3A_444 = arith.constant 3 : i32
        %add3A_445 = arith.addi %mul3A_443, %add3A_444 : i32
        %get3A_446 = arith.constant 0 : i32
        %get3A_447 = arith.index_cast %get3A_446 : i32 to index
        %get3A_448 = arith.index_cast %add3A_445 : i32 to index
        %get3A_449 = arith.constant 0 : index
        %get3A_450 = tpu.vector_load %arg8[%get3A_447, %get3A_448, %get3A_449] {strides = array<i32>} : memref<2x640x64xf32, #tpu.memory_space<vmem>>, vector<1x1x16xf32>,
        %get3A_451 = vector.shape_cast %get3A_450 : vector<1x1x16xf32> to vector<16xf32>
        %get3A_452 = arith.index_cast %select_n3A_210 : i32 to index
        %get3A_453 = arith.constant 0 : index
        %get3A_454 = tpu.vector_load %arg7[%get3A_452, %get3A_453] {strides = array<i32>} : memref<200x64xf32, #tpu.memory_space<vmem>>, vector<1x16xf32>,
        %get3A_455 = vector.shape_cast %get3A_454 : vector<1x16xf32> to vector<16xf32>
        %add3A_456 = arith.addf %get3A_451, %get3A_455 : vector<16xf32>
        %mul3A_457 = arith.constant 4 : i32
        %mul3A_458 = arith.muli %mul3A_457, %scan3A_193 : i32
        %add3A_459 = arith.constant 3 : i32
        %add3A_460 = arith.addi %mul3A_458, %add3A_459 : i32
        %mul3A_461 = arith.constant 4 : i32
        %mul3A_462 = arith.muli %mul3A_461, %scan3A_193 : i32
        %add3A_463 = arith.constant 3 : i32
        %add3A_464 = arith.addi %mul3A_462, %add3A_463 : i32
        %get3A_465 = arith.constant 0 : i32
        %get3A_466 = arith.index_cast %get3A_465 : i32 to index
        %get3A_467 = arith.index_cast %add3A_464 : i32 to index
        %get3A_468 = arith.constant 16 : index
        %get3A_469 = tpu.vector_load %arg8[%get3A_466, %get3A_467, %get3A_468] {strides = array<i32>} : memref<2x640x64xf32, #tpu.memory_space<vmem>>, vector<1x1x16xf32>,
        %get3A_470 = vector.shape_cast %get3A_469 : vector<1x1x16xf32> to vector<16xf32>
        %get3A_471 = arith.index_cast %select_n3A_210 : i32 to index
        %get3A_472 = arith.constant 16 : index
        %get3A_473 = tpu.vector_load %arg7[%get3A_471, %get3A_472] {strides = array<i32>} : memref<200x64xf32, #tpu.memory_space<vmem>>, vector<1x16xf32>,
        %get3A_474 = vector.shape_cast %get3A_473 : vector<1x16xf32> to vector<16xf32>
        %add3A_475 = arith.addf %get3A_470, %get3A_474 : vector<16xf32>
        %mul3A_476 = arith.constant 4 : i32
        %mul3A_477 = arith.muli %mul3A_476, %scan3A_193 : i32
        %add3A_478 = arith.constant 3 : i32
        %add3A_479 = arith.addi %mul3A_477, %add3A_478 : i32
        %mul3A_480 = arith.constant 4 : i32
        %mul3A_481 = arith.muli %mul3A_480, %scan3A_193 : i32
        %add3A_482 = arith.constant 3 : i32
        %add3A_483 = arith.addi %mul3A_481, %add3A_482 : i32
        %get3A_484 = arith.constant 0 : i32
        %get3A_485 = arith.index_cast %get3A_484 : i32 to index
        %get3A_486 = arith.index_cast %add3A_483 : i32 to index
        %get3A_487 = arith.constant 32 : index
        %get3A_488 = tpu.vector_load %arg8[%get3A_485, %get3A_486, %get3A_487] {strides = array<i32>} : memref<2x640x64xf32, #tpu.memory_space<vmem>>, vector<1x1x16xf32>,
        %get3A_489 = vector.shape_cast %get3A_488 : vector<1x1x16xf32> to vector<16xf32>
        %get3A_490 = arith.index_cast %select_n3A_210 : i32 to index
        %get3A_491 = arith.constant 32 : index
        %get3A_492 = tpu.vector_load %arg7[%get3A_490, %get3A_491] {strides = array<i32>} : memref<200x64xf32, #tpu.memory_space<vmem>>, vector<1x16xf32>,
        %get3A_493 = vector.shape_cast %get3A_492 : vector<1x16xf32> to vector<16xf32>
        %add3A_494 = arith.addf %get3A_489, %get3A_493 : vector<16xf32>
        %mul3A_495 = arith.constant 4 : i32
        %mul3A_496 = arith.muli %mul3A_495, %scan3A_193 : i32
        %add3A_497 = arith.constant 3 : i32
        %add3A_498 = arith.addi %mul3A_496, %add3A_497 : i32
        %mul3A_499 = arith.constant 4 : i32
        %mul3A_500 = arith.muli %mul3A_499, %scan3A_193 : i32
        %add3A_501 = arith.constant 3 : i32
        %add3A_502 = arith.addi %mul3A_500, %add3A_501 : i32
        %get3A_503 = arith.constant 0 : i32
        %get3A_504 = arith.index_cast %get3A_503 : i32 to index
        %get3A_505 = arith.index_cast %add3A_502 : i32 to index
        %get3A_506 = arith.constant 48 : index
        %get3A_507 = tpu.vector_load %arg8[%get3A_504, %get3A_505, %get3A_506] {strides = array<i32>} : memref<2x640x64xf32, #tpu.memory_space<vmem>>, vector<1x1x16xf32>,
        %get3A_508 = vector.shape_cast %get3A_507 : vector<1x1x16xf32> to vector<16xf32>
        %get3A_509 = arith.index_cast %select_n3A_210 : i32 to index
        %get3A_510 = arith.constant 48 : index
        %get3A_511 = tpu.vector_load %arg7[%get3A_509, %get3A_510] {strides = array<i32>} : memref<200x64xf32, #tpu.memory_space<vmem>>, vector<1x16xf32>,
        %get3A_512 = vector.shape_cast %get3A_511 : vector<1x16xf32> to vector<16xf32>
        %add3A_513 = arith.addf %get3A_508, %get3A_512 : vector<16xf32>
        %swap3A = arith.constant 0 : i32
        %swap3A_514 = arith.index_cast %swap3A : i32 to index
        %swap3A_515 = arith.index_cast %add3A_214 : i32 to index
        %swap3A_516 = arith.constant 0 : index
        %swap3A_517 = tpu.vector_load %arg8[%swap3A_514, %swap3A_515, %swap3A_516] {strides = array<i32>} : memref<2x640x64xf32, #tpu.memory_space<vmem>>, vector<1x1x16xf32>,
        %swap3A_518 = vector.shape_cast %swap3A_517 : vector<1x1x16xf32> to vector<16xf32>
        %swap3A_519 = vector.shape_cast %add3A_228 : vector<16xf32> to vector<1x1x16xf32>
        tpu.vector_store %arg8[%swap3A_514, %swap3A_515, %swap3A_516], %swap3A_519 {strides = array<i32>} : memref<2x640x64xf32, #tpu.memory_space<vmem>>, vector<1x1x16xf32>,
        %swap3A_520 = arith.constant 0 : i32
        %swap3A_521 = arith.index_cast %swap3A_520 : i32 to index
        %swap3A_522 = arith.index_cast %add3A_232 : i32 to index
        %swap3A_523 = arith.constant 16 : index
        %swap3A_524 = tpu.vector_load %arg8[%swap3A_521, %swap3A_522, %swap3A_523] {strides = array<i32>} : memref<2x640x64xf32, #tpu.memory_space<vmem>>, vector<1x1x16xf32>,
        %swap3A_525 = vector.shape_cast %swap3A_524 : vector<1x1x16xf32> to vector<16xf32>
        %swap3A_526 = vector.shape_cast %add3A_247 : vector<16xf32> to vector<1x1x16xf32>
        tpu.vector_store %arg8[%swap3A_521, %swap3A_522, %swap3A_523], %swap3A_526 {strides = array<i32>} : memref<2x640x64xf32, #tpu.memory_space<vmem>>, vector<1x1x16xf32>,
        %swap3A_527 = arith.constant 0 : i32
        %swap3A_528 = arith.index_cast %swap3A_527 : i32 to index
        %swap3A_529 = arith.index_cast %add3A_251 : i32 to index
        %swap3A_530 = arith.constant 32 : index
        %swap3A_531 = tpu.vector_load %arg8[%swap3A_528, %swap3A_529, %swap3A_530] {strides = array<i32>} : memref<2x640x64xf32, #tpu.memory_space<vmem>>, vector<1x1x16xf32>,
        %swap3A_532 = vector.shape_cast %swap3A_531 : vector<1x1x16xf32> to vector<16xf32>
        %swap3A_533 = vector.shape_cast %add3A_266 : vector<16xf32> to vector<1x1x16xf32>
        tpu.vector_store %arg8[%swap3A_528, %swap3A_529, %swap3A_530], %swap3A_533 {strides = array<i32>} : memref<2x640x64xf32, #tpu.memory_space<vmem>>, vector<1x1x16xf32>,
        %swap3A_534 = arith.constant 0 : i32
        %swap3A_535 = arith.index_cast %swap3A_534 : i32 to index
        %swap3A_536 = arith.index_cast %add3A_270 : i32 to index
        %swap3A_537 = arith.constant 48 : index
        %swap3A_538 = tpu.vector_load %arg8[%swap3A_535, %swap3A_536, %swap3A_537] {strides = array<i32>} : memref<2x640x64xf32, #tpu.memory_space<vmem>>, vector<1x1x16xf32>,
        %swap3A_539 = vector.shape_cast %swap3A_538 : vector<1x1x16xf32> to vector<16xf32>
        %swap3A_540 = vector.shape_cast %add3A_285 : vector<16xf32> to vector<1x1x16xf32>
        tpu.vector_store %arg8[%swap3A_535, %swap3A_536, %swap3A_537], %swap3A_540 {strides = array<i32>} : memref<2x640x64xf32, #tpu.memory_space<vmem>>, vector<1x1x16xf32>,
        %swap3A_541 = arith.constant 0 : i32
        %swap3A_542 = arith.index_cast %swap3A_541 : i32 to index
        %swap3A_543 = arith.index_cast %add3A_289 : i32 to index
        %swap3A_544 = arith.constant 0 : index
        %swap3A_545 = tpu.vector_load %arg8[%swap3A_542, %swap3A_543, %swap3A_544] {strides = array<i32>} : memref<2x640x64xf32, #tpu.memory_space<vmem>>, vector<1x1x16xf32>,
        %swap3A_546 = vector.shape_cast %swap3A_545 : vector<1x1x16xf32> to vector<16xf32>
        %swap3A_547 = vector.shape_cast %add3A_304 : vector<16xf32> to vector<1x1x16xf32>
        tpu.vector_store %arg8[%swap3A_542, %swap3A_543, %swap3A_544], %swap3A_547 {strides = array<i32>} : memref<2x640x64xf32, #tpu.memory_space<vmem>>, vector<1x1x16xf32>,
        %swap3A_548 = arith.constant 0 : i32
        %swap3A_549 = arith.index_cast %swap3A_548 : i32 to index
        %swap3A_550 = arith.index_cast %add3A_308 : i32 to index
        %swap3A_551 = arith.constant 16 : index
        %swap3A_552 = tpu.vector_load %arg8[%swap3A_549, %swap3A_550, %swap3A_551] {strides = array<i32>} : memref<2x640x64xf32, #tpu.memory_space<vmem>>, vector<1x1x16xf32>,
        %swap3A_553 = vector.shape_cast %swap3A_552 : vector<1x1x16xf32> to vector<16xf32>
        %swap3A_554 = vector.shape_cast %add3A_323 : vector<16xf32> to vector<1x1x16xf32>
        tpu.vector_store %arg8[%swap3A_549, %swap3A_550, %swap3A_551], %swap3A_554 {strides = array<i32>} : memref<2x640x64xf32, #tpu.memory_space<vmem>>, vector<1x1x16xf32>,
        %swap3A_555 = arith.constant 0 : i32
        %swap3A_556 = arith.index_cast %swap3A_555 : i32 to index
        %swap3A_557 = arith.index_cast %add3A_327 : i32 to index
        %swap3A_558 = arith.constant 32 : index
        %swap3A_559 = tpu.vector_load %arg8[%swap3A_556, %swap3A_557, %swap3A_558] {strides = array<i32>} : memref<2x640x64xf32, #tpu.memory_space<vmem>>, vector<1x1x16xf32>,
        %swap3A_560 = vector.shape_cast %swap3A_559 : vector<1x1x16xf32> to vector<16xf32>
        %swap3A_561 = vector.shape_cast %add3A_342 : vector<16xf32> to vector<1x1x16xf32>
        tpu.vector_store %arg8[%swap3A_556, %swap3A_557, %swap3A_558], %swap3A_561 {strides = array<i32>} : memref<2x640x64xf32, #tpu.memory_space<vmem>>, vector<1x1x16xf32>,
        %swap3A_562 = arith.constant 0 : i32
        %swap3A_563 = arith.index_cast %swap3A_562 : i32 to index
        %swap3A_564 = arith.index_cast %add3A_346 : i32 to index
        %swap3A_565 = arith.constant 48 : index
        %swap3A_566 = tpu.vector_load %arg8[%swap3A_563, %swap3A_564, %swap3A_565] {strides = array<i32>} : memref<2x640x64xf32, #tpu.memory_space<vmem>>, vector<1x1x16xf32>,
        %swap3A_567 = vector.shape_cast %swap3A_566 : vector<1x1x16xf32> to vector<16xf32>
        %swap3A_568 = vector.shape_cast %add3A_361 : vector<16xf32> to vector<1x1x16xf32>
        tpu.vector_store %arg8[%swap3A_563, %swap3A_564, %swap3A_565], %swap3A_568 {strides = array<i32>} : memref<2x640x64xf32, #tpu.memory_space<vmem>>, vector<1x1x16xf32>,
        %swap3A_569 = arith.constant 0 : i32
        %swap3A_570 = arith.index_cast %swap3A_569 : i32 to index
        %swap3A_571 = arith.index_cast %add3A_365 : i32 to index
        %swap3A_572 = arith.constant 0 : index
        %swap3A_573 = tpu.vector_load %arg8[%swap3A_570, %swap3A_571, %swap3A_572] {strides = array<i32>} : memref<2x640x64xf32, #tpu.memory_space<vmem>>, vector<1x1x16xf32>,
        %swap3A_574 = vector.shape_cast %swap3A_573 : vector<1x1x16xf32> to vector<16xf32>
        %swap3A_575 = vector.shape_cast %add3A_380 : vector<16xf32> to vector<1x1x16xf32>
        tpu.vector_store %arg8[%swap3A_570, %swap3A_571, %swap3A_572], %swap3A_575 {strides = array<i32>} : memref<2x640x64xf32, #tpu.memory_space<vmem>>, vector<1x1x16xf32>,
        %swap3A_576 = arith.constant 0 : i32
        %swap3A_577 = arith.index_cast %swap3A_576 : i32 to index
        %swap3A_578 = arith.index_cast %add3A_384 : i32 to index
        %swap3A_579 = arith.constant 16 : index
        %swap3A_580 = tpu.vector_load %arg8[%swap3A_577, %swap3A_578, %swap3A_579] {strides = array<i32>} : memref<2x640x64xf32, #tpu.memory_space<vmem>>, vector<1x1x16xf32>,
        %swap3A_581 = vector.shape_cast %swap3A_580 : vector<1x1x16xf32> to vector<16xf32>
        %swap3A_582 = vector.shape_cast %add3A_399 : vector<16xf32> to vector<1x1x16xf32>
        tpu.vector_store %arg8[%swap3A_577, %swap3A_578, %swap3A_579], %swap3A_582 {strides = array<i32>} : memref<2x640x64xf32, #tpu.memory_space<vmem>>, vector<1x1x16xf32>,
        %swap3A_583 = arith.constant 0 : i32
        %swap3A_584 = arith.index_cast %swap3A_583 : i32 to index
        %swap3A_585 = arith.index_cast %add3A_403 : i32 to index
        %swap3A_586 = arith.constant 32 : index
        %swap3A_587 = tpu.vector_load %arg8[%swap3A_584, %swap3A_585, %swap3A_586] {strides = array<i32>} : memref<2x640x64xf32, #tpu.memory_space<vmem>>, vector<1x1x16xf32>,
        %swap3A_588 = vector.shape_cast %swap3A_587 : vector<1x1x16xf32> to vector<16xf32>
        %swap3A_589 = vector.shape_cast %add3A_418 : vector<16xf32> to vector<1x1x16xf32>
        tpu.vector_store %arg8[%swap3A_584, %swap3A_585, %swap3A_586], %swap3A_589 {strides = array<i32>} : memref<2x640x64xf32, #tpu.memory_space<vmem>>, vector<1x1x16xf32>,
        %swap3A_590 = arith.constant 0 : i32
        %swap3A_591 = arith.index_cast %swap3A_590 : i32 to index
        %swap3A_592 = arith.index_cast %add3A_422 : i32 to index
        %swap3A_593 = arith.constant 48 : index
        %swap3A_594 = tpu.vector_load %arg8[%swap3A_591, %swap3A_592, %swap3A_593] {strides = array<i32>} : memref<2x640x64xf32, #tpu.memory_space<vmem>>, vector<1x1x16xf32>,
        %swap3A_595 = vector.shape_cast %swap3A_594 : vector<1x1x16xf32> to vector<16xf32>
        %swap3A_596 = vector.shape_cast %add3A_437 : vector<16xf32> to vector<1x1x16xf32>
        tpu.vector_store %arg8[%swap3A_591, %swap3A_592, %swap3A_593], %swap3A_596 {strides = array<i32>} : memref<2x640x64xf32, #tpu.memory_space<vmem>>, vector<1x1x16xf32>,
        %swap3A_597 = arith.constant 0 : i32
        %swap3A_598 = arith.index_cast %swap3A_597 : i32 to index
        %swap3A_599 = arith.index_cast %add3A_441 : i32 to index
        %swap3A_600 = arith.constant 0 : index
        %swap3A_601 = tpu.vector_load %arg8[%swap3A_598, %swap3A_599, %swap3A_600] {strides = array<i32>} : memref<2x640x64xf32, #tpu.memory_space<vmem>>, vector<1x1x16xf32>,
        %swap3A_602 = vector.shape_cast %swap3A_601 : vector<1x1x16xf32> to vector<16xf32>
        %swap3A_603 = vector.shape_cast %add3A_456 : vector<16xf32> to vector<1x1x16xf32>
        tpu.vector_store %arg8[%swap3A_598, %swap3A_599, %swap3A_600], %swap3A_603 {strides = array<i32>} : memref<2x640x64xf32, #tpu.memory_space<vmem>>, vector<1x1x16xf32>,
        %swap3A_604 = arith.constant 0 : i32
        %swap3A_605 = arith.index_cast %swap3A_604 : i32 to index
        %swap3A_606 = arith.index_cast %add3A_460 : i32 to index
        %swap3A_607 = arith.constant 16 : index
        %swap3A_608 = tpu.vector_load %arg8[%swap3A_605, %swap3A_606, %swap3A_607] {strides = array<i32>} : memref<2x640x64xf32, #tpu.memory_space<vmem>>, vector<1x1x16xf32>,
        %swap3A_609 = vector.shape_cast %swap3A_608 : vector<1x1x16xf32> to vector<16xf32>
        %swap3A_610 = vector.shape_cast %add3A_475 : vector<16xf32> to vector<1x1x16xf32>
        tpu.vector_store %arg8[%swap3A_605, %swap3A_606, %swap3A_607], %swap3A_610 {strides = array<i32>} : memref<2x640x64xf32, #tpu.memory_space<vmem>>, vector<1x1x16xf32>,
        %swap3A_611 = arith.constant 0 : i32
        %swap3A_612 = arith.index_cast %swap3A_611 : i32 to index
        %swap3A_613 = arith.index_cast %add3A_479 : i32 to index
        %swap3A_614 = arith.constant 32 : index
        %swap3A_615 = tpu.vector_load %arg8[%swap3A_612, %swap3A_613, %swap3A_614] {strides = array<i32>} : memref<2x640x64xf32, #tpu.memory_space<vmem>>, vector<1x1x16xf32>,
        %swap3A_616 = vector.shape_cast %swap3A_615 : vector<1x1x16xf32> to vector<16xf32>
        %swap3A_617 = vector.shape_cast %add3A_494 : vector<16xf32> to vector<1x1x16xf32>
        tpu.vector_store %arg8[%swap3A_612, %swap3A_613, %swap3A_614], %swap3A_617 {strides = array<i32>} : memref<2x640x64xf32, #tpu.memory_space<vmem>>, vector<1x1x16xf32>,
        %swap3A_618 = arith.constant 0 : i32
        %swap3A_619 = arith.index_cast %swap3A_618 : i32 to index
        %swap3A_620 = arith.index_cast %add3A_498 : i32 to index
        %swap3A_621 = arith.constant 48 : index
        %swap3A_622 = tpu.vector_load %arg8[%swap3A_619, %swap3A_620, %swap3A_621] {strides = array<i32>} : memref<2x640x64xf32, #tpu.memory_space<vmem>>, vector<1x1x16xf32>,
        %swap3A_623 = vector.shape_cast %swap3A_622 : vector<1x1x16xf32> to vector<16xf32>
        %swap3A_624 = vector.shape_cast %add3A_513 : vector<16xf32> to vector<1x1x16xf32>
        tpu.vector_store %arg8[%swap3A_619, %swap3A_620, %swap3A_621], %swap3A_624 {strides = array<i32>} : memref<2x640x64xf32, #tpu.memory_space<vmem>>, vector<1x1x16xf32>,
        %add3A_625 = arith.constant 4 : i32
        %add3A_626 = arith.addi %scan3A_194, %add3A_625 : i32
        %ge3A_627 = arith.constant 200 : i32
        %ge3A_628 = arith.cmpi sge, %add3A_626, %ge3A_627 : i32
        %sub3A = arith.constant 200 : i32
        %sub3A_629 = arith.subi %add3A_626, %sub3A : i32
        %select_n3A_630 = arith.select %ge3A_628, %sub3A_629, %add3A_626 : i32
        scf.yield %select_n3A_630 : i32
      }
      %scan3A_118 = arith.constant 160 : i32
      %mul3A_119 = arith.constant 640 : i32
      %mul3A_120 = arith.muli %mul3A_85, %mul3A_119 : i32
      %add3A_121 = arith.addi %mul3A_4, %mul3A_120 : i32
      %dma_start3A_122 = arith.constant 0 : i32
      %dma_start3A_123 = arith.constant 0 : i32
      %dma_start3A_124 = arith.constant 0 : i32
      %dma_start3A_125 = tpu.memref_slice %arg8[%dma_start3A_122, %dma_start3A_123, %dma_start3A_124] : memref<2x640x64xf32, #tpu.memory_space<vmem>> -> memref<1x640x64xf32, #tpu.memory_space<vmem>>
      %dma_start3A_126 = tpu.memref_squeeze %dma_start3A_125 : memref<1x640x64xf32, #tpu.memory_space<vmem>> -> memref<640x64xf32, #tpu.memory_space<vmem>>
      %dma_start3A_127 = arith.constant 0 : i32
      %dma_start3A_128 = tpu.memref_slice %arg5[%add3A_121, %dma_start3A_127] : memref<819200x64xf32, #tpu.memory_space<hbm>> -> memref<640x64xf32, #tpu.memory_space<hbm>>
      %dma_start3A_129 = arith.constant 0 : i32
      %dma_start3A_130 = tpu.memref_slice %arg5[%add3A_121, %dma_start3A_129] : memref<819200x64xf32, #tpu.memory_space<hbm>> -> memref<640x64xf32, #tpu.memory_space<hbm>>
      %dma_start3A_131 = arith.constant 0 : i32
      %dma_start3A_132 = arith.constant 0 : i32
      %dma_start3A_133 = tpu.memref_slice %arg8[%dma_start3A_122, %dma_start3A_131, %dma_start3A_132] : memref<2x640x64xf32, #tpu.memory_space<vmem>> -> memref<1x640x64xf32, #tpu.memory_space<vmem>>
      %dma_start3A_134 = tpu.memref_squeeze %dma_start3A_133 : memref<1x640x64xf32, #tpu.memory_space<vmem>> -> memref<640x64xf32, #tpu.memory_space<vmem>>
      tpu.enqueue_dma source(%dma_start3A_134 : memref<640x64xf32, #tpu.memory_space<vmem>>) target(%dma_start3A_130 : memref<640x64xf32, #tpu.memory_space<hbm>>) target_semaphore(%arg11 : memref<!tpu.dma_semaphore, #tpu.memory_space<semaphore_mem>>)
      %mul3A_135 = arith.constant 2 : i32
      %mul3A_136 = arith.muli %mul3A_135, %scan3A_83 : i32
      %add3A_137 = arith.constant 1 : i32
      %add3A_138 = arith.addi %mul3A_136, %add3A_137 : i32
      %mul3A_139 = arith.constant 640 : i32
      %mul3A_140 = arith.muli %add3A_138, %mul3A_139 : i32
      %add3A_141 = arith.addi %mul3A_4, %mul3A_140 : i32
      %dma_wait3A_142 = arith.constant 1 : i32
      %dma_wait3A_143 = arith.constant 0 : i32
      %dma_wait3A_144 = arith.constant 0 : i32
      %dma_wait3A_145 = tpu.memref_slice %arg8[%dma_wait3A_142, %dma_wait3A_143, %dma_wait3A_144] : memref<2x640x64xf32, #tpu.memory_space<vmem>> -> memref<1x640x64xf32, #tpu.memory_space<vmem>>
      %dma_wait3A_146 = tpu.memref_squeeze %dma_wait3A_145 : memref<1x640x64xf32, #tpu.memory_space<vmem>> -> memref<640x64xf32, #tpu.memory_space<vmem>>
      %dma_wait3A_147 = arith.constant 0 : i32
      %dma_wait3A_148 = tpu.memref_slice %arg5[%add3A_141, %dma_wait3A_147] : memref<819200x64xf32, #tpu.memory_space<hbm>> -> memref<640x64xf32, #tpu.memory_space<hbm>>
      %dma_wait3A_149 = arith.constant 0 : i32
      %dma_wait3A_150 = arith.constant 0 : i32
      %dma_wait3A_151 = tpu.memref_slice %arg8[%dma_wait3A_142, %dma_wait3A_149, %dma_wait3A_150] : memref<2x640x64xf32, #tpu.memory_space<vmem>> -> memref<1x640x64xf32, #tpu.memory_space<vmem>>
      %dma_wait3A_152 = tpu.memref_squeeze %dma_wait3A_151 : memref<1x640x64xf32, #tpu.memory_space<vmem>> -> memref<640x64xf32, #tpu.memory_space<vmem>>
      %dma_wait3A_153 = arith.constant 0 : i32
      %dma_wait3A_154 = tpu.memref_slice %arg5[%add3A_141, %dma_wait3A_153] : memref<819200x64xf32, #tpu.memory_space<hbm>> -> memref<640x64xf32, #tpu.memory_space<hbm>>
      tpu.wait_dma2 semaphore(%arg10 : memref<!tpu.dma_semaphore, #tpu.memory_space<semaphore_mem>>) src(%dma_wait3A_154 : memref<640x64xf32, #tpu.memory_space<hbm>>) dst(%dma_wait3A_152 : memref<640x64xf32, #tpu.memory_space<vmem>>)
      %ge3A_155 = arith.constant 1 : i32
      %ge3A_156 = arith.cmpi sge, %add3A_138, %ge3A_155 : i32
      %convert_element_type3A_157 = arith.extui %ge3A_156 : i1 to i32
      %cond3A_158 = arith.constant 0 : i32
      %cond3A_159 = arith.cmpi ne, %convert_element_type3A_157, %cond3A_158 : i32
      scf.if %cond3A_159 {
        %sub3A = arith.constant 1 : i32
        %sub3A_193 = arith.subi %add3A_138, %sub3A : i32
        %mul3A_194 = arith.constant 640 : i32
        %mul3A_195 = arith.muli %sub3A_193, %mul3A_194 : i32
        %add3A_196 = arith.addi %mul3A_4, %mul3A_195 : i32
        %dma_wait3A_197 = arith.constant 0 : i32
        %dma_wait3A_198 = arith.constant 0 : i32
        %dma_wait3A_199 = arith.constant 0 : i32
        %dma_wait3A_200 = tpu.memref_slice %arg8[%dma_wait3A_197, %dma_wait3A_198, %dma_wait3A_199] : memref<2x640x64xf32, #tpu.memory_space<vmem>> -> memref<1x640x64xf32, #tpu.memory_space<vmem>>
        %dma_wait3A_201 = tpu.memref_squeeze %dma_wait3A_200 : memref<1x640x64xf32, #tpu.memory_space<vmem>> -> memref<640x64xf32, #tpu.memory_space<vmem>>
        %dma_wait3A_202 = arith.constant 0 : i32
        %dma_wait3A_203 = tpu.memref_slice %arg5[%add3A_196, %dma_wait3A_202] : memref<819200x64xf32, #tpu.memory_space<hbm>> -> memref<640x64xf32, #tpu.memory_space<hbm>>
        %dma_wait3A_204 = arith.constant 0 : i32
        %dma_wait3A_205 = tpu.memref_slice %arg5[%add3A_196, %dma_wait3A_204] : memref<819200x64xf32, #tpu.memory_space<hbm>> -> memref<640x64xf32, #tpu.memory_space<hbm>>
        %dma_wait3A_206 = arith.constant 0 : i32
        %dma_wait3A_207 = arith.constant 0 : i32
        %dma_wait3A_208 = tpu.memref_slice %arg8[%dma_wait3A_197, %dma_wait3A_206, %dma_wait3A_207] : memref<2x640x64xf32, #tpu.memory_space<vmem>> -> memref<1x640x64xf32, #tpu.memory_space<vmem>>
        %dma_wait3A_209 = tpu.memref_squeeze %dma_wait3A_208 : memref<1x640x64xf32, #tpu.memory_space<vmem>> -> memref<640x64xf32, #tpu.memory_space<vmem>>
        tpu.wait_dma2 semaphore(%arg11 : memref<!tpu.dma_semaphore, #tpu.memory_space<semaphore_mem>>) src(%dma_wait3A_209 : memref<640x64xf32, #tpu.memory_space<vmem>>) dst(%dma_wait3A_205 : memref<640x64xf32, #tpu.memory_space<hbm>>)
      } else {
      }
      %add3A_160 = arith.constant 1 : i32
      %add3A_161 = arith.addi %add3A_138, %add3A_160 : i32
      %lt3A_162 = arith.constant 40 : i32
      %lt3A_163 = arith.cmpi slt, %add3A_161, %lt3A_162 : i32
      %convert_element_type3A_164 = arith.extui %lt3A_163 : i1 to i32
      %cond3A_165 = arith.constant 0 : i32
      %cond3A_166 = arith.cmpi ne, %convert_element_type3A_164, %cond3A_165 : i32
      scf.if %cond3A_166 {
        %add3A_193 = arith.constant 1 : i32
        %add3A_194 = arith.addi %add3A_138, %add3A_193 : i32
        %mul3A_195 = arith.constant 5 : i32
        %mul3A_196 = arith.muli %add3A_194, %mul3A_195 : i32
        %add3A_197 = arith.constant 0 : i32
        %add3A_198 = arith.addi %mul3A_196, %add3A_197 : i32
        %dma_start3A_199 = arith.constant 0 : i32
        %dma_start3A_200 = arith.constant 0 : i32
        %dma_start3A_201 = arith.constant 0 : i32
        %dma_start3A_202 = tpu.memref_slice %arg8[%dma_start3A_199, %dma_start3A_200, %dma_start3A_201] : memref<2x640x64xf32, #tpu.memory_space<vmem>> -> memref<1x128x64xf32, #tpu.memory_space<vmem>>
        %dma_start3A_203 = tpu.memref_squeeze %dma_start3A_202 : memref<1x128x64xf32, #tpu.memory_space<vmem>> -> memref<128x64xf32, #tpu.memory_space<vmem>>
        %dma_start3A_204 = arith.constant 0 : i32
        %dma_start3A_205 = tpu.memref_slice %arg6[%add3A_198, %dma_start3A_204] : memref<200x128xi32, #tpu.memory_space<vmem>> -> memref<1x128xi32, #tpu.memory_space<vmem>>
        %dma_start3A_206 = tpu.memref_squeeze %dma_start3A_205 : memref<1x128xi32, #tpu.memory_space<vmem>> -> memref<128xi32, #tpu.memory_space<vmem>>
        %dma_start3A_207 = arith.constant 0 : i32
        %dma_start3A_208 = arith.constant 0 : i32
        %dma_start3A_209 = tpu.memref_slice %arg4[%dma_start3A_207, %dma_start3A_208] : memref<1000000x64xf32, #tpu.memory_space<hbm>> -> memref<1000000x64xf32, #tpu.memory_space<hbm>>
        tpu.enqueue_indirect_dma source(%dma_start3A_209 : memref<1000000x64xf32, #tpu.memory_space<hbm>>) target(%dma_start3A_203 : memref<128x64xf32, #tpu.memory_space<vmem>>) offsets(%dma_start3A_206 : memref<128xi32, #tpu.memory_space<vmem>>) semaphore(%arg9 : memref<!tpu.dma_semaphore, #tpu.memory_space<semaphore_mem>>)
        %mul3A_210 = arith.constant 5 : i32
        %mul3A_211 = arith.muli %add3A_194, %mul3A_210 : i32
        %add3A_212 = arith.constant 1 : i32
        %add3A_213 = arith.addi %mul3A_211, %add3A_212 : i32
        %dma_start3A_214 = arith.constant 0 : i32
        %dma_start3A_215 = arith.constant 128 : i32
        %dma_start3A_216 = arith.constant 0 : i32
        %dma_start3A_217 = tpu.memref_slice %arg8[%dma_start3A_214, %dma_start3A_215, %dma_start3A_216] : memref<2x640x64xf32, #tpu.memory_space<vmem>> -> memref<1x128x64xf32, #tpu.memory_space<vmem>>
        %dma_start3A_218 = tpu.memref_squeeze %dma_start3A_217 : memref<1x128x64xf32, #tpu.memory_space<vmem>> -> memref<128x64xf32, #tpu.memory_space<vmem>>
        %dma_start3A_219 = arith.constant 0 : i32
        %dma_start3A_220 = tpu.memref_slice %arg6[%add3A_213, %dma_start3A_219] : memref<200x128xi32, #tpu.memory_space<vmem>> -> memref<1x128xi32, #tpu.memory_space<vmem>>
        %dma_start3A_221 = tpu.memref_squeeze %dma_start3A_220 : memref<1x128xi32, #tpu.memory_space<vmem>> -> memref<128xi32, #tpu.memory_space<vmem>>
        %dma_start3A_222 = arith.constant 0 : i32
        %dma_start3A_223 = arith.constant 0 : i32
        %dma_start3A_224 = tpu.memref_slice %arg4[%dma_start3A_222, %dma_start3A_223] : memref<1000000x64xf32, #tpu.memory_space<hbm>> -> memref<1000000x64xf32, #tpu.memory_space<hbm>>
        tpu.enqueue_indirect_dma source(%dma_start3A_224 : memref<1000000x64xf32, #tpu.memory_space<hbm>>) target(%dma_start3A_218 : memref<128x64xf32, #tpu.memory_space<vmem>>) offsets(%dma_start3A_221 : memref<128xi32, #tpu.memory_space<vmem>>) semaphore(%arg9 : memref<!tpu.dma_semaphore, #tpu.memory_space<semaphore_mem>>)
        %mul3A_225 = arith.constant 5 : i32
        %mul3A_226 = arith.muli %add3A_194, %mul3A_225 : i32
        %add3A_227 = arith.constant 2 : i32
        %add3A_228 = arith.addi %mul3A_226, %add3A_227 : i32
        %dma_start3A_229 = arith.constant 0 : i32
        %dma_start3A_230 = arith.constant 256 : i32
        %dma_start3A_231 = arith.constant 0 : i32
        %dma_start3A_232 = tpu.memref_slice %arg8[%dma_start3A_229, %dma_start3A_230, %dma_start3A_231] : memref<2x640x64xf32, #tpu.memory_space<vmem>> -> memref<1x128x64xf32, #tpu.memory_space<vmem>>
        %dma_start3A_233 = tpu.memref_squeeze %dma_start3A_232 : memref<1x128x64xf32, #tpu.memory_space<vmem>> -> memref<128x64xf32, #tpu.memory_space<vmem>>
        %dma_start3A_234 = arith.constant 0 : i32
        %dma_start3A_235 = tpu.memref_slice %arg6[%add3A_228, %dma_start3A_234] : memref<200x128xi32, #tpu.memory_space<vmem>> -> memref<1x128xi32, #tpu.memory_space<vmem>>
        %dma_start3A_236 = tpu.memref_squeeze %dma_start3A_235 : memref<1x128xi32, #tpu.memory_space<vmem>> -> memref<128xi32, #tpu.memory_space<vmem>>
        %dma_start3A_237 = arith.constant 0 : i32
        %dma_start3A_238 = arith.constant 0 : i32
        %dma_start3A_239 = tpu.memref_slice %arg4[%dma_start3A_237, %dma_start3A_238] : memref<1000000x64xf32, #tpu.memory_space<hbm>> -> memref<1000000x64xf32, #tpu.memory_space<hbm>>
        tpu.enqueue_indirect_dma source(%dma_start3A_239 : memref<1000000x64xf32, #tpu.memory_space<hbm>>) target(%dma_start3A_233 : memref<128x64xf32, #tpu.memory_space<vmem>>) offsets(%dma_start3A_236 : memref<128xi32, #tpu.memory_space<vmem>>) semaphore(%arg9 : memref<!tpu.dma_semaphore, #tpu.memory_space<semaphore_mem>>)
        %mul3A_240 = arith.constant 5 : i32
        %mul3A_241 = arith.muli %add3A_194, %mul3A_240 : i32
        %add3A_242 = arith.constant 3 : i32
        %add3A_243 = arith.addi %mul3A_241, %add3A_242 : i32
        %dma_start3A_244 = arith.constant 0 : i32
        %dma_start3A_245 = arith.constant 384 : i32
        %dma_start3A_246 = arith.constant 0 : i32
        %dma_start3A_247 = tpu.memref_slice %arg8[%dma_start3A_244, %dma_start3A_245, %dma_start3A_246] : memref<2x640x64xf32, #tpu.memory_space<vmem>> -> memref<1x128x64xf32, #tpu.memory_space<vmem>>
        %dma_start3A_248 = tpu.memref_squeeze %dma_start3A_247 : memref<1x128x64xf32, #tpu.memory_space<vmem>> -> memref<128x64xf32, #tpu.memory_space<vmem>>
        %dma_start3A_249 = arith.constant 0 : i32
        %dma_start3A_250 = tpu.memref_slice %arg6[%add3A_243, %dma_start3A_249] : memref<200x128xi32, #tpu.memory_space<vmem>> -> memref<1x128xi32, #tpu.memory_space<vmem>>
        %dma_start3A_251 = tpu.memref_squeeze %dma_start3A_250 : memref<1x128xi32, #tpu.memory_space<vmem>> -> memref<128xi32, #tpu.memory_space<vmem>>
        %dma_start3A_252 = arith.constant 0 : i32
        %dma_start3A_253 = arith.constant 0 : i32
        %dma_start3A_254 = tpu.memref_slice %arg4[%dma_start3A_252, %dma_start3A_253] : memref<1000000x64xf32, #tpu.memory_space<hbm>> -> memref<1000000x64xf32, #tpu.memory_space<hbm>>
        tpu.enqueue_indirect_dma source(%dma_start3A_254 : memref<1000000x64xf32, #tpu.memory_space<hbm>>) target(%dma_start3A_248 : memref<128x64xf32, #tpu.memory_space<vmem>>) offsets(%dma_start3A_251 : memref<128xi32, #tpu.memory_space<vmem>>) semaphore(%arg9 : memref<!tpu.dma_semaphore, #tpu.memory_space<semaphore_mem>>)
        %mul3A_255 = arith.constant 5 : i32
        %mul3A_256 = arith.muli %add3A_194, %mul3A_255 : i32
        %add3A_257 = arith.constant 4 : i32
        %add3A_258 = arith.addi %mul3A_256, %add3A_257 : i32
        %dma_start3A_259 = arith.constant 0 : i32
        %dma_start3A_260 = arith.constant 512 : i32
        %dma_start3A_261 = arith.constant 0 : i32
        %dma_start3A_262 = tpu.memref_slice %arg8[%dma_start3A_259, %dma_start3A_260, %dma_start3A_261] : memref<2x640x64xf32, #tpu.memory_space<vmem>> -> memref<1x128x64xf32, #tpu.memory_space<vmem>>
        %dma_start3A_263 = tpu.memref_squeeze %dma_start3A_262 : memref<1x128x64xf32, #tpu.memory_space<vmem>> -> memref<128x64xf32, #tpu.memory_space<vmem>>
        %dma_start3A_264 = arith.constant 0 : i32
        %dma_start3A_265 = tpu.memref_slice %arg6[%add3A_258, %dma_start3A_264] : memref<200x128xi32, #tpu.memory_space<vmem>> -> memref<1x128xi32, #tpu.memory_space<vmem>>
        %dma_start3A_266 = tpu.memref_squeeze %dma_start3A_265 : memref<1x128xi32, #tpu.memory_space<vmem>> -> memref<128xi32, #tpu.memory_space<vmem>>
        %dma_start3A_267 = arith.constant 0 : i32
        %dma_start3A_268 = arith.constant 0 : i32
        %dma_start3A_269 = tpu.memref_slice %arg4[%dma_start3A_267, %dma_start3A_268] : memref<1000000x64xf32, #tpu.memory_space<hbm>> -> memref<1000000x64xf32, #tpu.memory_space<hbm>>
        tpu.enqueue_indirect_dma source(%dma_start3A_269 : memref<1000000x64xf32, #tpu.memory_space<hbm>>) target(%dma_start3A_263 : memref<128x64xf32, #tpu.memory_space<vmem>>) offsets(%dma_start3A_266 : memref<128xi32, #tpu.memory_space<vmem>>) semaphore(%arg9 : memref<!tpu.dma_semaphore, #tpu.memory_space<semaphore_mem>>)
      } else {
      }
      %mul3A_167 = arith.constant 640 : i32
      %mul3A_168 = arith.muli %add3A_138, %mul3A_167 : i32
      %rem3A_169 = arith.constant 200 : i32
      %rem3A_170 = arith.remsi %mul3A_168, %rem3A_169 : i32
      %scan3A_171 = arith.constant 0 : i32
      %scan3A_172 = arith.constant 160 : i32
      %scan3A_173 = arith.addi %scan3A_171, %scan3A_172 : i32
      %scan3A_174 = arith.constant 1 : i32
      %scan3A_175 = scf.for %scan3A_193 = %scan3A_171 to %scan3A_173 step %scan3A_174 iter_args(%scan3A_194 = %rem3A_170) -> (i32)  : i32 {
        %add3A_195 = arith.constant 1 : i32
        %add3A_196 = arith.addi %scan3A_194, %add3A_195 : i32
        %eq3A = arith.constant 200 : i32
        %eq3A_197 = arith.cmpi eq, %add3A_196, %eq3A : i32
        %select_n3A = arith.constant 0 : i32
        %select_n3A_198 = arith.select %eq3A_197, %select_n3A, %add3A_196 : i32
        %add3A_199 = arith.constant 1 : i32
        %add3A_200 = arith.addi %select_n3A_198, %add3A_199 : i32
        %eq3A_201 = arith.constant 200 : i32
        %eq3A_202 = arith.cmpi eq, %add3A_200, %eq3A_201 : i32
        %select_n3A_203 = arith.constant 0 : i32
        %select_n3A_204 = arith.select %eq3A_202, %select_n3A_203, %add3A_200 : i32
        %add3A_205 = arith.constant 1 : i32
        %add3A_206 = arith.addi %select_n3A_204, %add3A_205 : i32
        %eq3A_207 = arith.constant 200 : i32
        %eq3A_208 = arith.cmpi eq, %add3A_206, %eq3A_207 : i32
        %select_n3A_209 = arith.constant 0 : i32
        %select_n3A_210 = arith.select %eq3A_208, %select_n3A_209, %add3A_206 : i32
        %mul3A_211 = arith.constant 4 : i32
        %mul3A_212 = arith.muli %mul3A_211, %scan3A_193 : i32
        %add3A_213 = arith.constant 0 : i32
        %add3A_214 = arith.addi %mul3A_212, %add3A_213 : i32
        %mul3A_215 = arith.constant 4 : i32
        %mul3A_216 = arith.muli %mul3A_215, %scan3A_193 : i32
        %add3A_217 = arith.constant 0 : i32
        %add3A_218 = arith.addi %mul3A_216, %add3A_217 : i32
        %get3A = arith.constant 1 : i32
        %get3A_219 = arith.index_cast %get3A : i32 to index
        %get3A_220 = arith.index_cast %add3A_218 : i32 to index
        %get3A_221 = arith.constant 0 : index
        %get3A_222 = tpu.vector_load %arg8[%get3A_219, %get3A_220, %get3A_221] {strides = array<i32>} : memref<2x640x64xf32, #tpu.memory_space<vmem>>, vector<1x1x16xf32>,
        %get3A_223 = vector.shape_cast %get3A_222 : vector<1x1x16xf32> to vector<16xf32>
        %get3A_224 = arith.index_cast %scan3A_194 : i32 to index
        %get3A_225 = arith.constant 0 : index
        %get3A_226 = tpu.vector_load %arg7[%get3A_224, %get3A_225] {strides = array<i32>} : memref<200x64xf32, #tpu.memory_space<vmem>>, vector<1x16xf32>,
        %get3A_227 = vector.shape_cast %get3A_226 : vector<1x16xf32> to vector<16xf32>
        %add3A_228 = arith.addf %get3A_223, %get3A_227 : vector<16xf32>
        %mul3A_229 = arith.constant 4 : i32
        %mul3A_230 = arith.muli %mul3A_229, %scan3A_193 : i32
        %add3A_231 = arith.constant 0 : i32
        %add3A_232 = arith.addi %mul3A_230, %add3A_231 : i32
        %mul3A_233 = arith.constant 4 : i32
        %mul3A_234 = arith.muli %mul3A_233, %scan3A_193 : i32
        %add3A_235 = arith.constant 0 : i32
        %add3A_236 = arith.addi %mul3A_234, %add3A_235 : i32
        %get3A_237 = arith.constant 1 : i32
        %get3A_238 = arith.index_cast %get3A_237 : i32 to index
        %get3A_239 = arith.index_cast %add3A_236 : i32 to index
        %get3A_240 = arith.constant 16 : index
        %get3A_241 = tpu.vector_load %arg8[%get3A_238, %get3A_239, %get3A_240] {strides = array<i32>} : memref<2x640x64xf32, #tpu.memory_space<vmem>>, vector<1x1x16xf32>,
        %get3A_242 = vector.shape_cast %get3A_241 : vector<1x1x16xf32> to vector<16xf32>
        %get3A_243 = arith.index_cast %scan3A_194 : i32 to index
        %get3A_244 = arith.constant 16 : index
        %get3A_245 = tpu.vector_load %arg7[%get3A_243, %get3A_244] {strides = array<i32>} : memref<200x64xf32, #tpu.memory_space<vmem>>, vector<1x16xf32>,
        %get3A_246 = vector.shape_cast %get3A_245 : vector<1x16xf32> to vector<16xf32>
        %add3A_247 = arith.addf %get3A_242, %get3A_246 : vector<16xf32>
        %mul3A_248 = arith.constant 4 : i32
        %mul3A_249 = arith.muli %mul3A_248, %scan3A_193 : i32
        %add3A_250 = arith.constant 0 : i32
        %add3A_251 = arith.addi %mul3A_249, %add3A_250 : i32
        %mul3A_252 = arith.constant 4 : i32
        %mul3A_253 = arith.muli %mul3A_252, %scan3A_193 : i32
        %add3A_254 = arith.constant 0 : i32
        %add3A_255 = arith.addi %mul3A_253, %add3A_254 : i32
        %get3A_256 = arith.constant 1 : i32
        %get3A_257 = arith.index_cast %get3A_256 : i32 to index
        %get3A_258 = arith.index_cast %add3A_255 : i32 to index
        %get3A_259 = arith.constant 32 : index
        %get3A_260 = tpu.vector_load %arg8[%get3A_257, %get3A_258, %get3A_259] {strides = array<i32>} : memref<2x640x64xf32, #tpu.memory_space<vmem>>, vector<1x1x16xf32>,
        %get3A_261 = vector.shape_cast %get3A_260 : vector<1x1x16xf32> to vector<16xf32>
        %get3A_262 = arith.index_cast %scan3A_194 : i32 to index
        %get3A_263 = arith.constant 32 : index
        %get3A_264 = tpu.vector_load %arg7[%get3A_262, %get3A_263] {strides = array<i32>} : memref<200x64xf32, #tpu.memory_space<vmem>>, vector<1x16xf32>,
        %get3A_265 = vector.shape_cast %get3A_264 : vector<1x16xf32> to vector<16xf32>
        %add3A_266 = arith.addf %get3A_261, %get3A_265 : vector<16xf32>
        %mul3A_267 = arith.constant 4 : i32
        %mul3A_268 = arith.muli %mul3A_267, %scan3A_193 : i32
        %add3A_269 = arith.constant 0 : i32
        %add3A_270 = arith.addi %mul3A_268, %add3A_269 : i32
        %mul3A_271 = arith.constant 4 : i32
        %mul3A_272 = arith.muli %mul3A_271, %scan3A_193 : i32
        %add3A_273 = arith.constant 0 : i32
        %add3A_274 = arith.addi %mul3A_272, %add3A_273 : i32
        %get3A_275 = arith.constant 1 : i32
        %get3A_276 = arith.index_cast %get3A_275 : i32 to index
        %get3A_277 = arith.index_cast %add3A_274 : i32 to index
        %get3A_278 = arith.constant 48 : index
        %get3A_279 = tpu.vector_load %arg8[%get3A_276, %get3A_277, %get3A_278] {strides = array<i32>} : memref<2x640x64xf32, #tpu.memory_space<vmem>>, vector<1x1x16xf32>,
        %get3A_280 = vector.shape_cast %get3A_279 : vector<1x1x16xf32> to vector<16xf32>
        %get3A_281 = arith.index_cast %scan3A_194 : i32 to index
        %get3A_282 = arith.constant 48 : index
        %get3A_283 = tpu.vector_load %arg7[%get3A_281, %get3A_282] {strides = array<i32>} : memref<200x64xf32, #tpu.memory_space<vmem>>, vector<1x16xf32>,
        %get3A_284 = vector.shape_cast %get3A_283 : vector<1x16xf32> to vector<16xf32>
        %add3A_285 = arith.addf %get3A_280, %get3A_284 : vector<16xf32>
        %mul3A_286 = arith.constant 4 : i32
        %mul3A_287 = arith.muli %mul3A_286, %scan3A_193 : i32
        %add3A_288 = arith.constant 1 : i32
        %add3A_289 = arith.addi %mul3A_287, %add3A_288 : i32
        %mul3A_290 = arith.constant 4 : i32
        %mul3A_291 = arith.muli %mul3A_290, %scan3A_193 : i32
        %add3A_292 = arith.constant 1 : i32
        %add3A_293 = arith.addi %mul3A_291, %add3A_292 : i32
        %get3A_294 = arith.constant 1 : i32
        %get3A_295 = arith.index_cast %get3A_294 : i32 to index
        %get3A_296 = arith.index_cast %add3A_293 : i32 to index
        %get3A_297 = arith.constant 0 : index
        %get3A_298 = tpu.vector_load %arg8[%get3A_295, %get3A_296, %get3A_297] {strides = array<i32>} : memref<2x640x64xf32, #tpu.memory_space<vmem>>, vector<1x1x16xf32>,
        %get3A_299 = vector.shape_cast %get3A_298 : vector<1x1x16xf32> to vector<16xf32>
        %get3A_300 = arith.index_cast %select_n3A_198 : i32 to index
        %get3A_301 = arith.constant 0 : index
        %get3A_302 = tpu.vector_load %arg7[%get3A_300, %get3A_301] {strides = array<i32>} : memref<200x64xf32, #tpu.memory_space<vmem>>, vector<1x16xf32>,
        %get3A_303 = vector.shape_cast %get3A_302 : vector<1x16xf32> to vector<16xf32>
        %add3A_304 = arith.addf %get3A_299, %get3A_303 : vector<16xf32>
        %mul3A_305 = arith.constant 4 : i32
        %mul3A_306 = arith.muli %mul3A_305, %scan3A_193 : i32
        %add3A_307 = arith.constant 1 : i32
        %add3A_308 = arith.addi %mul3A_306, %add3A_307 : i32
        %mul3A_309 = arith.constant 4 : i32
        %mul3A_310 = arith.muli %mul3A_309, %scan3A_193 : i32
        %add3A_311 = arith.constant 1 : i32
        %add3A_312 = arith.addi %mul3A_310, %add3A_311 : i32
        %get3A_313 = arith.constant 1 : i32
        %get3A_314 = arith.index_cast %get3A_313 : i32 to index
        %get3A_315 = arith.index_cast %add3A_312 : i32 to index
        %get3A_316 = arith.constant 16 : index
        %get3A_317 = tpu.vector_load %arg8[%get3A_314, %get3A_315, %get3A_316] {strides = array<i32>} : memref<2x640x64xf32, #tpu.memory_space<vmem>>, vector<1x1x16xf32>,
        %get3A_318 = vector.shape_cast %get3A_317 : vector<1x1x16xf32> to vector<16xf32>
        %get3A_319 = arith.index_cast %select_n3A_198 : i32 to index
        %get3A_320 = arith.constant 16 : index
        %get3A_321 = tpu.vector_load %arg7[%get3A_319, %get3A_320] {strides = array<i32>} : memref<200x64xf32, #tpu.memory_space<vmem>>, vector<1x16xf32>,
        %get3A_322 = vector.shape_cast %get3A_321 : vector<1x16xf32> to vector<16xf32>
        %add3A_323 = arith.addf %get3A_318, %get3A_322 : vector<16xf32>
        %mul3A_324 = arith.constant 4 : i32
        %mul3A_325 = arith.muli %mul3A_324, %scan3A_193 : i32
        %add3A_326 = arith.constant 1 : i32
        %add3A_327 = arith.addi %mul3A_325, %add3A_326 : i32
        %mul3A_328 = arith.constant 4 : i32
        %mul3A_329 = arith.muli %mul3A_328, %scan3A_193 : i32
        %add3A_330 = arith.constant 1 : i32
        %add3A_331 = arith.addi %mul3A_329, %add3A_330 : i32
        %get3A_332 = arith.constant 1 : i32
        %get3A_333 = arith.index_cast %get3A_332 : i32 to index
        %get3A_334 = arith.index_cast %add3A_331 : i32 to index
        %get3A_335 = arith.constant 32 : index
        %get3A_336 = tpu.vector_load %arg8[%get3A_333, %get3A_334, %get3A_335] {strides = array<i32>} : memref<2x640x64xf32, #tpu.memory_space<vmem>>, vector<1x1x16xf32>,
        %get3A_337 = vector.shape_cast %get3A_336 : vector<1x1x16xf32> to vector<16xf32>
        %get3A_338 = arith.index_cast %select_n3A_198 : i32 to index
        %get3A_339 = arith.constant 32 : index
        %get3A_340 = tpu.vector_load %arg7[%get3A_338, %get3A_339] {strides = array<i32>} : memref<200x64xf32, #tpu.memory_space<vmem>>, vector<1x16xf32>,
        %get3A_341 = vector.shape_cast %get3A_340 : vector<1x16xf32> to vector<16xf32>
        %add3A_342 = arith.addf %get3A_337, %get3A_341 : vector<16xf32>
        %mul3A_343 = arith.constant 4 : i32
        %mul3A_344 = arith.muli %mul3A_343, %scan3A_193 : i32
        %add3A_345 = arith.constant 1 : i32
        %add3A_346 = arith.addi %mul3A_344, %add3A_345 : i32
        %mul3A_347 = arith.constant 4 : i32
        %mul3A_348 = arith.muli %mul3A_347, %scan3A_193 : i32
        %add3A_349 = arith.constant 1 : i32
        %add3A_350 = arith.addi %mul3A_348, %add3A_349 : i32
        %get3A_351 = arith.constant 1 : i32
        %get3A_352 = arith.index_cast %get3A_351 : i32 to index
        %get3A_353 = arith.index_cast %add3A_350 : i32 to index
        %get3A_354 = arith.constant 48 : index
        %get3A_355 = tpu.vector_load %arg8[%get3A_352, %get3A_353, %get3A_354] {strides = array<i32>} : memref<2x640x64xf32, #tpu.memory_space<vmem>>, vector<1x1x16xf32>,
        %get3A_356 = vector.shape_cast %get3A_355 : vector<1x1x16xf32> to vector<16xf32>
        %get3A_357 = arith.index_cast %select_n3A_198 : i32 to index
        %get3A_358 = arith.constant 48 : index
        %get3A_359 = tpu.vector_load %arg7[%get3A_357, %get3A_358] {strides = array<i32>} : memref<200x64xf32, #tpu.memory_space<vmem>>, vector<1x16xf32>,
        %get3A_360 = vector.shape_cast %get3A_359 : vector<1x16xf32> to vector<16xf32>
        %add3A_361 = arith.addf %get3A_356, %get3A_360 : vector<16xf32>
        %mul3A_362 = arith.constant 4 : i32
        %mul3A_363 = arith.muli %mul3A_362, %scan3A_193 : i32
        %add3A_364 = arith.constant 2 : i32
        %add3A_365 = arith.addi %mul3A_363, %add3A_364 : i32
        %mul3A_366 = arith.constant 4 : i32
        %mul3A_367 = arith.muli %mul3A_366, %scan3A_193 : i32
        %add3A_368 = arith.constant 2 : i32
        %add3A_369 = arith.addi %mul3A_367, %add3A_368 : i32
        %get3A_370 = arith.constant 1 : i32
        %get3A_371 = arith.index_cast %get3A_370 : i32 to index
        %get3A_372 = arith.index_cast %add3A_369 : i32 to index
        %get3A_373 = arith.constant 0 : index
        %get3A_374 = tpu.vector_load %arg8[%get3A_371, %get3A_372, %get3A_373] {strides = array<i32>} : memref<2x640x64xf32, #tpu.memory_space<vmem>>, vector<1x1x16xf32>,
        %get3A_375 = vector.shape_cast %get3A_374 : vector<1x1x16xf32> to vector<16xf32>
        %get3A_376 = arith.index_cast %select_n3A_204 : i32 to index
        %get3A_377 = arith.constant 0 : index
        %get3A_378 = tpu.vector_load %arg7[%get3A_376, %get3A_377] {strides = array<i32>} : memref<200x64xf32, #tpu.memory_space<vmem>>, vector<1x16xf32>,
        %get3A_379 = vector.shape_cast %get3A_378 : vector<1x16xf32> to vector<16xf32>
        %add3A_380 = arith.addf %get3A_375, %get3A_379 : vector<16xf32>
        %mul3A_381 = arith.constant 4 : i32
        %mul3A_382 = arith.muli %mul3A_381, %scan3A_193 : i32
        %add3A_383 = arith.constant 2 : i32
        %add3A_384 = arith.addi %mul3A_382, %add3A_383 : i32
        %mul3A_385 = arith.constant 4 : i32
        %mul3A_386 = arith.muli %mul3A_385, %scan3A_193 : i32
        %add3A_387 = arith.constant 2 : i32
        %add3A_388 = arith.addi %mul3A_386, %add3A_387 : i32
        %get3A_389 = arith.constant 1 : i32
        %get3A_390 = arith.index_cast %get3A_389 : i32 to index
        %get3A_391 = arith.index_cast %add3A_388 : i32 to index
        %get3A_392 = arith.constant 16 : index
        %get3A_393 = tpu.vector_load %arg8[%get3A_390, %get3A_391, %get3A_392] {strides = array<i32>} : memref<2x640x64xf32, #tpu.memory_space<vmem>>, vector<1x1x16xf32>,
        %get3A_394 = vector.shape_cast %get3A_393 : vector<1x1x16xf32> to vector<16xf32>
        %get3A_395 = arith.index_cast %select_n3A_204 : i32 to index
        %get3A_396 = arith.constant 16 : index
        %get3A_397 = tpu.vector_load %arg7[%get3A_395, %get3A_396] {strides = array<i32>} : memref<200x64xf32, #tpu.memory_space<vmem>>, vector<1x16xf32>,
        %get3A_398 = vector.shape_cast %get3A_397 : vector<1x16xf32> to vector<16xf32>
        %add3A_399 = arith.addf %get3A_394, %get3A_398 : vector<16xf32>
        %mul3A_400 = arith.constant 4 : i32
        %mul3A_401 = arith.muli %mul3A_400, %scan3A_193 : i32
        %add3A_402 = arith.constant 2 : i32
        %add3A_403 = arith.addi %mul3A_401, %add3A_402 : i32
        %mul3A_404 = arith.constant 4 : i32
        %mul3A_405 = arith.muli %mul3A_404, %scan3A_193 : i32
        %add3A_406 = arith.constant 2 : i32
        %add3A_407 = arith.addi %mul3A_405, %add3A_406 : i32
        %get3A_408 = arith.constant 1 : i32
        %get3A_409 = arith.index_cast %get3A_408 : i32 to index
        %get3A_410 = arith.index_cast %add3A_407 : i32 to index
        %get3A_411 = arith.constant 32 : index
        %get3A_412 = tpu.vector_load %arg8[%get3A_409, %get3A_410, %get3A_411] {strides = array<i32>} : memref<2x640x64xf32, #tpu.memory_space<vmem>>, vector<1x1x16xf32>,
        %get3A_413 = vector.shape_cast %get3A_412 : vector<1x1x16xf32> to vector<16xf32>
        %get3A_414 = arith.index_cast %select_n3A_204 : i32 to index
        %get3A_415 = arith.constant 32 : index
        %get3A_416 = tpu.vector_load %arg7[%get3A_414, %get3A_415] {strides = array<i32>} : memref<200x64xf32, #tpu.memory_space<vmem>>, vector<1x16xf32>,
        %get3A_417 = vector.shape_cast %get3A_416 : vector<1x16xf32> to vector<16xf32>
        %add3A_418 = arith.addf %get3A_413, %get3A_417 : vector<16xf32>
        %mul3A_419 = arith.constant 4 : i32
        %mul3A_420 = arith.muli %mul3A_419, %scan3A_193 : i32
        %add3A_421 = arith.constant 2 : i32
        %add3A_422 = arith.addi %mul3A_420, %add3A_421 : i32
        %mul3A_423 = arith.constant 4 : i32
        %mul3A_424 = arith.muli %mul3A_423, %scan3A_193 : i32
        %add3A_425 = arith.constant 2 : i32
        %add3A_426 = arith.addi %mul3A_424, %add3A_425 : i32
        %get3A_427 = arith.constant 1 : i32
        %get3A_428 = arith.index_cast %get3A_427 : i32 to index
        %get3A_429 = arith.index_cast %add3A_426 : i32 to index
        %get3A_430 = arith.constant 48 : index
        %get3A_431 = tpu.vector_load %arg8[%get3A_428, %get3A_429, %get3A_430] {strides = array<i32>} : memref<2x640x64xf32, #tpu.memory_space<vmem>>, vector<1x1x16xf32>,
        %get3A_432 = vector.shape_cast %get3A_431 : vector<1x1x16xf32> to vector<16xf32>
        %get3A_433 = arith.index_cast %select_n3A_204 : i32 to index
        %get3A_434 = arith.constant 48 : index
        %get3A_435 = tpu.vector_load %arg7[%get3A_433, %get3A_434] {strides = array<i32>} : memref<200x64xf32, #tpu.memory_space<vmem>>, vector<1x16xf32>,
        %get3A_436 = vector.shape_cast %get3A_435 : vector<1x16xf32> to vector<16xf32>
        %add3A_437 = arith.addf %get3A_432, %get3A_436 : vector<16xf32>
        %mul3A_438 = arith.constant 4 : i32
        %mul3A_439 = arith.muli %mul3A_438, %scan3A_193 : i32
        %add3A_440 = arith.constant 3 : i32
        %add3A_441 = arith.addi %mul3A_439, %add3A_440 : i32
        %mul3A_442 = arith.constant 4 : i32
        %mul3A_443 = arith.muli %mul3A_442, %scan3A_193 : i32
        %add3A_444 = arith.constant 3 : i32
        %add3A_445 = arith.addi %mul3A_443, %add3A_444 : i32
        %get3A_446 = arith.constant 1 : i32
        %get3A_447 = arith.index_cast %get3A_446 : i32 to index
        %get3A_448 = arith.index_cast %add3A_445 : i32 to index
        %get3A_449 = arith.constant 0 : index
        %get3A_450 = tpu.vector_load %arg8[%get3A_447, %get3A_448, %get3A_449] {strides = array<i32>} : memref<2x640x64xf32, #tpu.memory_space<vmem>>, vector<1x1x16xf32>,
        %get3A_451 = vector.shape_cast %get3A_450 : vector<1x1x16xf32> to vector<16xf32>
        %get3A_452 = arith.index_cast %select_n3A_210 : i32 to index
        %get3A_453 = arith.constant 0 : index
        %get3A_454 = tpu.vector_load %arg7[%get3A_452, %get3A_453] {strides = array<i32>} : memref<200x64xf32, #tpu.memory_space<vmem>>, vector<1x16xf32>,
        %get3A_455 = vector.shape_cast %get3A_454 : vector<1x16xf32> to vector<16xf32>
        %add3A_456 = arith.addf %get3A_451, %get3A_455 : vector<16xf32>
        %mul3A_457 = arith.constant 4 : i32
        %mul3A_458 = arith.muli %mul3A_457, %scan3A_193 : i32
        %add3A_459 = arith.constant 3 : i32
        %add3A_460 = arith.addi %mul3A_458, %add3A_459 : i32
        %mul3A_461 = arith.constant 4 : i32
        %mul3A_462 = arith.muli %mul3A_461, %scan3A_193 : i32
        %add3A_463 = arith.constant 3 : i32
        %add3A_464 = arith.addi %mul3A_462, %add3A_463 : i32
        %get3A_465 = arith.constant 1 : i32
        %get3A_466 = arith.index_cast %get3A_465 : i32 to index
        %get3A_467 = arith.index_cast %add3A_464 : i32 to index
        %get3A_468 = arith.constant 16 : index
        %get3A_469 = tpu.vector_load %arg8[%get3A_466, %get3A_467, %get3A_468] {strides = array<i32>} : memref<2x640x64xf32, #tpu.memory_space<vmem>>, vector<1x1x16xf32>,
        %get3A_470 = vector.shape_cast %get3A_469 : vector<1x1x16xf32> to vector<16xf32>
        %get3A_471 = arith.index_cast %select_n3A_210 : i32 to index
        %get3A_472 = arith.constant 16 : index
        %get3A_473 = tpu.vector_load %arg7[%get3A_471, %get3A_472] {strides = array<i32>} : memref<200x64xf32, #tpu.memory_space<vmem>>, vector<1x16xf32>,
        %get3A_474 = vector.shape_cast %get3A_473 : vector<1x16xf32> to vector<16xf32>
        %add3A_475 = arith.addf %get3A_470, %get3A_474 : vector<16xf32>
        %mul3A_476 = arith.constant 4 : i32
        %mul3A_477 = arith.muli %mul3A_476, %scan3A_193 : i32
        %add3A_478 = arith.constant 3 : i32
        %add3A_479 = arith.addi %mul3A_477, %add3A_478 : i32
        %mul3A_480 = arith.constant 4 : i32
        %mul3A_481 = arith.muli %mul3A_480, %scan3A_193 : i32
        %add3A_482 = arith.constant 3 : i32
        %add3A_483 = arith.addi %mul3A_481, %add3A_482 : i32
        %get3A_484 = arith.constant 1 : i32
        %get3A_485 = arith.index_cast %get3A_484 : i32 to index
        %get3A_486 = arith.index_cast %add3A_483 : i32 to index
        %get3A_487 = arith.constant 32 : index
        %get3A_488 = tpu.vector_load %arg8[%get3A_485, %get3A_486, %get3A_487] {strides = array<i32>} : memref<2x640x64xf32, #tpu.memory_space<vmem>>, vector<1x1x16xf32>,
        %get3A_489 = vector.shape_cast %get3A_488 : vector<1x1x16xf32> to vector<16xf32>
        %get3A_490 = arith.index_cast %select_n3A_210 : i32 to index
        %get3A_491 = arith.constant 32 : index
        %get3A_492 = tpu.vector_load %arg7[%get3A_490, %get3A_491] {strides = array<i32>} : memref<200x64xf32, #tpu.memory_space<vmem>>, vector<1x16xf32>,
        %get3A_493 = vector.shape_cast %get3A_492 : vector<1x16xf32> to vector<16xf32>
        %add3A_494 = arith.addf %get3A_489, %get3A_493 : vector<16xf32>
        %mul3A_495 = arith.constant 4 : i32
        %mul3A_496 = arith.muli %mul3A_495, %scan3A_193 : i32
        %add3A_497 = arith.constant 3 : i32
        %add3A_498 = arith.addi %mul3A_496, %add3A_497 : i32
        %mul3A_499 = arith.constant 4 : i32
        %mul3A_500 = arith.muli %mul3A_499, %scan3A_193 : i32
        %add3A_501 = arith.constant 3 : i32
        %add3A_502 = arith.addi %mul3A_500, %add3A_501 : i32
        %get3A_503 = arith.constant 1 : i32
        %get3A_504 = arith.index_cast %get3A_503 : i32 to index
        %get3A_505 = arith.index_cast %add3A_502 : i32 to index
        %get3A_506 = arith.constant 48 : index
        %get3A_507 = tpu.vector_load %arg8[%get3A_504, %get3A_505, %get3A_506] {strides = array<i32>} : memref<2x640x64xf32, #tpu.memory_space<vmem>>, vector<1x1x16xf32>,
        %get3A_508 = vector.shape_cast %get3A_507 : vector<1x1x16xf32> to vector<16xf32>
        %get3A_509 = arith.index_cast %select_n3A_210 : i32 to index
        %get3A_510 = arith.constant 48 : index
        %get3A_511 = tpu.vector_load %arg7[%get3A_509, %get3A_510] {strides = array<i32>} : memref<200x64xf32, #tpu.memory_space<vmem>>, vector<1x16xf32>,
        %get3A_512 = vector.shape_cast %get3A_511 : vector<1x16xf32> to vector<16xf32>
        %add3A_513 = arith.addf %get3A_508, %get3A_512 : vector<16xf32>
        %swap3A = arith.constant 1 : i32
        %swap3A_514 = arith.index_cast %swap3A : i32 to index
        %swap3A_515 = arith.index_cast %add3A_214 : i32 to index
        %swap3A_516 = arith.constant 0 : index
        %swap3A_517 = tpu.vector_load %arg8[%swap3A_514, %swap3A_515, %swap3A_516] {strides = array<i32>} : memref<2x640x64xf32, #tpu.memory_space<vmem>>, vector<1x1x16xf32>,
        %swap3A_518 = vector.shape_cast %swap3A_517 : vector<1x1x16xf32> to vector<16xf32>
        %swap3A_519 = vector.shape_cast %add3A_228 : vector<16xf32> to vector<1x1x16xf32>
        tpu.vector_store %arg8[%swap3A_514, %swap3A_515, %swap3A_516], %swap3A_519 {strides = array<i32>} : memref<2x640x64xf32, #tpu.memory_space<vmem>>, vector<1x1x16xf32>,
        %swap3A_520 = arith.constant 1 : i32
        %swap3A_521 = arith.index_cast %swap3A_520 : i32 to index
        %swap3A_522 = arith.index_cast %add3A_232 : i32 to index
        %swap3A_523 = arith.constant 16 : index
        %swap3A_524 = tpu.vector_load %arg8[%swap3A_521, %swap3A_522, %swap3A_523] {strides = array<i32>} : memref<2x640x64xf32, #tpu.memory_space<vmem>>, vector<1x1x16xf32>,
        %swap3A_525 = vector.shape_cast %swap3A_524 : vector<1x1x16xf32> to vector<16xf32>
        %swap3A_526 = vector.shape_cast %add3A_247 : vector<16xf32> to vector<1x1x16xf32>
        tpu.vector_store %arg8[%swap3A_521, %swap3A_522, %swap3A_523], %swap3A_526 {strides = array<i32>} : memref<2x640x64xf32, #tpu.memory_space<vmem>>, vector<1x1x16xf32>,
        %swap3A_527 = arith.constant 1 : i32
        %swap3A_528 = arith.index_cast %swap3A_527 : i32 to index
        %swap3A_529 = arith.index_cast %add3A_251 : i32 to index
        %swap3A_530 = arith.constant 32 : index
        %swap3A_531 = tpu.vector_load %arg8[%swap3A_528, %swap3A_529, %swap3A_530] {strides = array<i32>} : memref<2x640x64xf32, #tpu.memory_space<vmem>>, vector<1x1x16xf32>,
        %swap3A_532 = vector.shape_cast %swap3A_531 : vector<1x1x16xf32> to vector<16xf32>
        %swap3A_533 = vector.shape_cast %add3A_266 : vector<16xf32> to vector<1x1x16xf32>
        tpu.vector_store %arg8[%swap3A_528, %swap3A_529, %swap3A_530], %swap3A_533 {strides = array<i32>} : memref<2x640x64xf32, #tpu.memory_space<vmem>>, vector<1x1x16xf32>,
        %swap3A_534 = arith.constant 1 : i32
        %swap3A_535 = arith.index_cast %swap3A_534 : i32 to index
        %swap3A_536 = arith.index_cast %add3A_270 : i32 to index
        %swap3A_537 = arith.constant 48 : index
        %swap3A_538 = tpu.vector_load %arg8[%swap3A_535, %swap3A_536, %swap3A_537] {strides = array<i32>} : memref<2x640x64xf32, #tpu.memory_space<vmem>>, vector<1x1x16xf32>,
        %swap3A_539 = vector.shape_cast %swap3A_538 : vector<1x1x16xf32> to vector<16xf32>
        %swap3A_540 = vector.shape_cast %add3A_285 : vector<16xf32> to vector<1x1x16xf32>
        tpu.vector_store %arg8[%swap3A_535, %swap3A_536, %swap3A_537], %swap3A_540 {strides = array<i32>} : memref<2x640x64xf32, #tpu.memory_space<vmem>>, vector<1x1x16xf32>,
        %swap3A_541 = arith.constant 1 : i32
        %swap3A_542 = arith.index_cast %swap3A_541 : i32 to index
        %swap3A_543 = arith.index_cast %add3A_289 : i32 to index
        %swap3A_544 = arith.constant 0 : index
        %swap3A_545 = tpu.vector_load %arg8[%swap3A_542, %swap3A_543, %swap3A_544] {strides = array<i32>} : memref<2x640x64xf32, #tpu.memory_space<vmem>>, vector<1x1x16xf32>,
        %swap3A_546 = vector.shape_cast %swap3A_545 : vector<1x1x16xf32> to vector<16xf32>
        %swap3A_547 = vector.shape_cast %add3A_304 : vector<16xf32> to vector<1x1x16xf32>
        tpu.vector_store %arg8[%swap3A_542, %swap3A_543, %swap3A_544], %swap3A_547 {strides = array<i32>} : memref<2x640x64xf32, #tpu.memory_space<vmem>>, vector<1x1x16xf32>,
        %swap3A_548 = arith.constant 1 : i32
        %swap3A_549 = arith.index_cast %swap3A_548 : i32 to index
        %swap3A_550 = arith.index_cast %add3A_308 : i32 to index
        %swap3A_551 = arith.constant 16 : index
        %swap3A_552 = tpu.vector_load %arg8[%swap3A_549, %swap3A_550, %swap3A_551] {strides = array<i32>} : memref<2x640x64xf32, #tpu.memory_space<vmem>>, vector<1x1x16xf32>,
        %swap3A_553 = vector.shape_cast %swap3A_552 : vector<1x1x16xf32> to vector<16xf32>
        %swap3A_554 = vector.shape_cast %add3A_323 : vector<16xf32> to vector<1x1x16xf32>
        tpu.vector_store %arg8[%swap3A_549, %swap3A_550, %swap3A_551], %swap3A_554 {strides = array<i32>} : memref<2x640x64xf32, #tpu.memory_space<vmem>>, vector<1x1x16xf32>,
        %swap3A_555 = arith.constant 1 : i32
        %swap3A_556 = arith.index_cast %swap3A_555 : i32 to index
        %swap3A_557 = arith.index_cast %add3A_327 : i32 to index
        %swap3A_558 = arith.constant 32 : index
        %swap3A_559 = tpu.vector_load %arg8[%swap3A_556, %swap3A_557, %swap3A_558] {strides = array<i32>} : memref<2x640x64xf32, #tpu.memory_space<vmem>>, vector<1x1x16xf32>,
        %swap3A_560 = vector.shape_cast %swap3A_559 : vector<1x1x16xf32> to vector<16xf32>
        %swap3A_561 = vector.shape_cast %add3A_342 : vector<16xf32> to vector<1x1x16xf32>
        tpu.vector_store %arg8[%swap3A_556, %swap3A_557, %swap3A_558], %swap3A_561 {strides = array<i32>} : memref<2x640x64xf32, #tpu.memory_space<vmem>>, vector<1x1x16xf32>,
        %swap3A_562 = arith.constant 1 : i32
        %swap3A_563 = arith.index_cast %swap3A_562 : i32 to index
        %swap3A_564 = arith.index_cast %add3A_346 : i32 to index
        %swap3A_565 = arith.constant 48 : index
        %swap3A_566 = tpu.vector_load %arg8[%swap3A_563, %swap3A_564, %swap3A_565] {strides = array<i32>} : memref<2x640x64xf32, #tpu.memory_space<vmem>>, vector<1x1x16xf32>,
        %swap3A_567 = vector.shape_cast %swap3A_566 : vector<1x1x16xf32> to vector<16xf32>
        %swap3A_568 = vector.shape_cast %add3A_361 : vector<16xf32> to vector<1x1x16xf32>
        tpu.vector_store %arg8[%swap3A_563, %swap3A_564, %swap3A_565], %swap3A_568 {strides = array<i32>} : memref<2x640x64xf32, #tpu.memory_space<vmem>>, vector<1x1x16xf32>,
        %swap3A_569 = arith.constant 1 : i32
        %swap3A_570 = arith.index_cast %swap3A_569 : i32 to index
        %swap3A_571 = arith.index_cast %add3A_365 : i32 to index
        %swap3A_572 = arith.constant 0 : index
        %swap3A_573 = tpu.vector_load %arg8[%swap3A_570, %swap3A_571, %swap3A_572] {strides = array<i32>} : memref<2x640x64xf32, #tpu.memory_space<vmem>>, vector<1x1x16xf32>,
        %swap3A_574 = vector.shape_cast %swap3A_573 : vector<1x1x16xf32> to vector<16xf32>
        %swap3A_575 = vector.shape_cast %add3A_380 : vector<16xf32> to vector<1x1x16xf32>
        tpu.vector_store %arg8[%swap3A_570, %swap3A_571, %swap3A_572], %swap3A_575 {strides = array<i32>} : memref<2x640x64xf32, #tpu.memory_space<vmem>>, vector<1x1x16xf32>,
        %swap3A_576 = arith.constant 1 : i32
        %swap3A_577 = arith.index_cast %swap3A_576 : i32 to index
        %swap3A_578 = arith.index_cast %add3A_384 : i32 to index
        %swap3A_579 = arith.constant 16 : index
        %swap3A_580 = tpu.vector_load %arg8[%swap3A_577, %swap3A_578, %swap3A_579] {strides = array<i32>} : memref<2x640x64xf32, #tpu.memory_space<vmem>>, vector<1x1x16xf32>,
        %swap3A_581 = vector.shape_cast %swap3A_580 : vector<1x1x16xf32> to vector<16xf32>
        %swap3A_582 = vector.shape_cast %add3A_399 : vector<16xf32> to vector<1x1x16xf32>
        tpu.vector_store %arg8[%swap3A_577, %swap3A_578, %swap3A_579], %swap3A_582 {strides = array<i32>} : memref<2x640x64xf32, #tpu.memory_space<vmem>>, vector<1x1x16xf32>,
        %swap3A_583 = arith.constant 1 : i32
        %swap3A_584 = arith.index_cast %swap3A_583 : i32 to index
        %swap3A_585 = arith.index_cast %add3A_403 : i32 to index
        %swap3A_586 = arith.constant 32 : index
        %swap3A_587 = tpu.vector_load %arg8[%swap3A_584, %swap3A_585, %swap3A_586] {strides = array<i32>} : memref<2x640x64xf32, #tpu.memory_space<vmem>>, vector<1x1x16xf32>,
        %swap3A_588 = vector.shape_cast %swap3A_587 : vector<1x1x16xf32> to vector<16xf32>
        %swap3A_589 = vector.shape_cast %add3A_418 : vector<16xf32> to vector<1x1x16xf32>
        tpu.vector_store %arg8[%swap3A_584, %swap3A_585, %swap3A_586], %swap3A_589 {strides = array<i32>} : memref<2x640x64xf32, #tpu.memory_space<vmem>>, vector<1x1x16xf32>,
        %swap3A_590 = arith.constant 1 : i32
        %swap3A_591 = arith.index_cast %swap3A_590 : i32 to index
        %swap3A_592 = arith.index_cast %add3A_422 : i32 to index
        %swap3A_593 = arith.constant 48 : index
        %swap3A_594 = tpu.vector_load %arg8[%swap3A_591, %swap3A_592, %swap3A_593] {strides = array<i32>} : memref<2x640x64xf32, #tpu.memory_space<vmem>>, vector<1x1x16xf32>,
        %swap3A_595 = vector.shape_cast %swap3A_594 : vector<1x1x16xf32> to vector<16xf32>
        %swap3A_596 = vector.shape_cast %add3A_437 : vector<16xf32> to vector<1x1x16xf32>
        tpu.vector_store %arg8[%swap3A_591, %swap3A_592, %swap3A_593], %swap3A_596 {strides = array<i32>} : memref<2x640x64xf32, #tpu.memory_space<vmem>>, vector<1x1x16xf32>,
        %swap3A_597 = arith.constant 1 : i32
        %swap3A_598 = arith.index_cast %swap3A_597 : i32 to index
        %swap3A_599 = arith.index_cast %add3A_441 : i32 to index
        %swap3A_600 = arith.constant 0 : index
        %swap3A_601 = tpu.vector_load %arg8[%swap3A_598, %swap3A_599, %swap3A_600] {strides = array<i32>} : memref<2x640x64xf32, #tpu.memory_space<vmem>>, vector<1x1x16xf32>,
        %swap3A_602 = vector.shape_cast %swap3A_601 : vector<1x1x16xf32> to vector<16xf32>
        %swap3A_603 = vector.shape_cast %add3A_456 : vector<16xf32> to vector<1x1x16xf32>
        tpu.vector_store %arg8[%swap3A_598, %swap3A_599, %swap3A_600], %swap3A_603 {strides = array<i32>} : memref<2x640x64xf32, #tpu.memory_space<vmem>>, vector<1x1x16xf32>,
        %swap3A_604 = arith.constant 1 : i32
        %swap3A_605 = arith.index_cast %swap3A_604 : i32 to index
        %swap3A_606 = arith.index_cast %add3A_460 : i32 to index
        %swap3A_607 = arith.constant 16 : index
        %swap3A_608 = tpu.vector_load %arg8[%swap3A_605, %swap3A_606, %swap3A_607] {strides = array<i32>} : memref<2x640x64xf32, #tpu.memory_space<vmem>>, vector<1x1x16xf32>,
        %swap3A_609 = vector.shape_cast %swap3A_608 : vector<1x1x16xf32> to vector<16xf32>
        %swap3A_610 = vector.shape_cast %add3A_475 : vector<16xf32> to vector<1x1x16xf32>
        tpu.vector_store %arg8[%swap3A_605, %swap3A_606, %swap3A_607], %swap3A_610 {strides = array<i32>} : memref<2x640x64xf32, #tpu.memory_space<vmem>>, vector<1x1x16xf32>,
        %swap3A_611 = arith.constant 1 : i32
        %swap3A_612 = arith.index_cast %swap3A_611 : i32 to index
        %swap3A_613 = arith.index_cast %add3A_479 : i32 to index
        %swap3A_614 = arith.constant 32 : index
        %swap3A_615 = tpu.vector_load %arg8[%swap3A_612, %swap3A_613, %swap3A_614] {strides = array<i32>} : memref<2x640x64xf32, #tpu.memory_space<vmem>>, vector<1x1x16xf32>,
        %swap3A_616 = vector.shape_cast %swap3A_615 : vector<1x1x16xf32> to vector<16xf32>
        %swap3A_617 = vector.shape_cast %add3A_494 : vector<16xf32> to vector<1x1x16xf32>
        tpu.vector_store %arg8[%swap3A_612, %swap3A_613, %swap3A_614], %swap3A_617 {strides = array<i32>} : memref<2x640x64xf32, #tpu.memory_space<vmem>>, vector<1x1x16xf32>,
        %swap3A_618 = arith.constant 1 : i32
        %swap3A_619 = arith.index_cast %swap3A_618 : i32 to index
        %swap3A_620 = arith.index_cast %add3A_498 : i32 to index
        %swap3A_621 = arith.constant 48 : index
        %swap3A_622 = tpu.vector_load %arg8[%swap3A_619, %swap3A_620, %swap3A_621] {strides = array<i32>} : memref<2x640x64xf32, #tpu.memory_space<vmem>>, vector<1x1x16xf32>,
        %swap3A_623 = vector.shape_cast %swap3A_622 : vector<1x1x16xf32> to vector<16xf32>
        %swap3A_624 = vector.shape_cast %add3A_513 : vector<16xf32> to vector<1x1x16xf32>
        tpu.vector_store %arg8[%swap3A_619, %swap3A_620, %swap3A_621], %swap3A_624 {strides = array<i32>} : memref<2x640x64xf32, #tpu.memory_space<vmem>>, vector<1x1x16xf32>,
        %add3A_625 = arith.constant 4 : i32
        %add3A_626 = arith.addi %scan3A_194, %add3A_625 : i32
        %ge3A_627 = arith.constant 200 : i32
        %ge3A_628 = arith.cmpi sge, %add3A_626, %ge3A_627 : i32
        %sub3A = arith.constant 200 : i32
        %sub3A_629 = arith.subi %add3A_626, %sub3A : i32
        %select_n3A_630 = arith.select %ge3A_628, %sub3A_629, %add3A_626 : i32
        scf.yield %select_n3A_630 : i32
      }
      %scan3A_176 = arith.constant 160 : i32
      %mul3A_177 = arith.constant 640 : i32
      %mul3A_178 = arith.muli %add3A_138, %mul3A_177 : i32
      %add3A_179 = arith.addi %mul3A_4, %mul3A_178 : i32
      %dma_start3A_180 = arith.constant 1 : i32
      %dma_start3A_181 = arith.constant 0 : i32
      %dma_start3A_182 = arith.constant 0 : i32
      %dma_start3A_183 = tpu.memref_slice %arg8[%dma_start3A_180, %dma_start3A_181, %dma_start3A_182] : memref<2x640x64xf32, #tpu.memory_space<vmem>> -> memref<1x640x64xf32, #tpu.memory_space<vmem>>
      %dma_start3A_184 = tpu.memref_squeeze %dma_start3A_183 : memref<1x640x64xf32, #tpu.memory_space<vmem>> -> memref<640x64xf32, #tpu.memory_space<vmem>>
      %dma_start3A_185 = arith.constant 0 : i32
      %dma_start3A_186 = tpu.memref_slice %arg5[%add3A_179, %dma_start3A_185] : memref<819200x64xf32, #tpu.memory_space<hbm>> -> memref<640x64xf32, #tpu.memory_space<hbm>>
      %dma_start3A_187 = arith.constant 0 : i32
      %dma_start3A_188 = tpu.memref_slice %arg5[%add3A_179, %dma_start3A_187] : memref<819200x64xf32, #tpu.memory_space<hbm>> -> memref<640x64xf32, #tpu.memory_space<hbm>>
      %dma_start3A_189 = arith.constant 0 : i32
      %dma_start3A_190 = arith.constant 0 : i32
      %dma_start3A_191 = tpu.memref_slice %arg8[%dma_start3A_180, %dma_start3A_189, %dma_start3A_190] : memref<2x640x64xf32, #tpu.memory_space<vmem>> -> memref<1x640x64xf32, #tpu.memory_space<vmem>>
      %dma_start3A_192 = tpu.memref_squeeze %dma_start3A_191 : memref<1x640x64xf32, #tpu.memory_space<vmem>> -> memref<640x64xf32, #tpu.memory_space<vmem>>
      tpu.enqueue_dma source(%dma_start3A_192 : memref<640x64xf32, #tpu.memory_space<vmem>>) target(%dma_start3A_188 : memref<640x64xf32, #tpu.memory_space<hbm>>) target_semaphore(%arg12 : memref<!tpu.dma_semaphore, #tpu.memory_space<semaphore_mem>>)
    }
    %scan3A_68 = arith.constant 20 : i32
    %add3A_69 = arith.constant 24960 : i32
    %add3A_70 = arith.addi %mul3A_4, %add3A_69 : i32
    %dma_wait3A = arith.constant 1 : i32
    %dma_wait3A_71 = arith.constant 0 : i32
    %dma_wait3A_72 = arith.constant 0 : i32
    %dma_wait3A_73 = tpu.memref_slice %arg8[%dma_wait3A, %dma_wait3A_71, %dma_wait3A_72] : memref<2x640x64xf32, #tpu.memory_space<vmem>> -> memref<1x640x64xf32, #tpu.memory_space<vmem>>
    %dma_wait3A_74 = tpu.memref_squeeze %dma_wait3A_73 : memref<1x640x64xf32, #tpu.memory_space<vmem>> -> memref<640x64xf32, #tpu.memory_space<vmem>>
    %dma_wait3A_75 = arith.constant 0 : i32
    %dma_wait3A_76 = tpu.memref_slice %arg5[%add3A_70, %dma_wait3A_75] : memref<819200x64xf32, #tpu.memory_space<hbm>> -> memref<640x64xf32, #tpu.memory_space<hbm>>
    %dma_wait3A_77 = arith.constant 0 : i32
    %dma_wait3A_78 = tpu.memref_slice %arg5[%add3A_70, %dma_wait3A_77] : memref<819200x64xf32, #tpu.memory_space<hbm>> -> memref<640x64xf32, #tpu.memory_space<hbm>>
    %dma_wait3A_79 = arith.constant 0 : i32
    %dma_wait3A_80 = arith.constant 0 : i32
    %dma_wait3A_81 = tpu.memref_slice %arg8[%dma_wait3A, %dma_wait3A_79, %dma_wait3A_80] : memref<2x640x64xf32, #tpu.memory_space<vmem>> -> memref<1x640x64xf32, #tpu.memory_space<vmem>>
    %dma_wait3A_82 = tpu.memref_squeeze %dma_wait3A_81 : memref<1x640x64xf32, #tpu.memory_space<vmem>> -> memref<640x64xf32, #tpu.memory_space<vmem>>
    tpu.wait_dma2 semaphore(%arg12 : memref<!tpu.dma_semaphore, #tpu.memory_space<semaphore_mem>>) src(%dma_wait3A_82 : memref<640x64xf32, #tpu.memory_space<vmem>>) dst(%dma_wait3A_78 : memref<640x64xf32, #tpu.memory_space<hbm>>)
    return
  }
}

</mosaic_0001>

<sc_bundles>
// kernel: kernel.3.cloned.1.call-start
scs
__scs_entry_jumppad:
0x0: {  	(pc) =	sbr.rel $0x88, $3  }
0x1: {  	(tag) =	ssettag $0x0;
	lr =	simm.s32 $0x1  }
0x2: {  	[smem:$0x3F9F] =	sst lr;
	_ =	strace $0xD0000000  }
0x3: {  	_ = 	snop  }
0x4: {  	_ = 	snop  }
0x5: {  	_ = 	snop  }
0x6: {  	_ = 	snop  }
0x7: {  	_ = 	snop  }
__scs_overlays_trampoline_lowered:
0x8: {  	[smem:$0x3FAE] =	sst s0  }
0x9: {  	[smem:$0x3FAF] =	sst s1  }
0xa: {  	[smem:$0x3FB0] =	sst s2  }
0xb: {  	[smem:$0x3FB1] =	sst s3  }
0xc: {  	[smem:$0x3FB2] =	sst s4  }
0xd: {  	[smem:$0x3FB3] =	sst s5  }
0xe: {  	[smem:$0x3FB4] =	sst s6  }
0xf: {  	[smem:$0x3FB5] =	sst s7  }
0x10: {  	[smem:$0x3FB6] =	sst s8  }
0x11: {  	[smem:$0x3FB7] =	sst s9;
	s0 =	simm.s32 @!p0 $0x0  }
0x12: {  	s1 =	sld [smem:$0x3F9D];
	s0 =	simm.s32 @p0 $0x1  }
0x13: {  	[smem:$0x3FB8] =	sst s0;
	s0 =	simm.s32 @!p1 $0x0  }
0x14: {  	s2 =	sld [smem:$0x3F9C];
	s0 =	simm.s32 @p1 $0x1  }
0x15: {  	[smem:$0x3FB9] =	sst s0;
	s0 =	simm.s32 @!p2 $0x0  }
0x16: {  	s3 =	sld [smem:$0x3FDB];
	s0 =	simm.s32 @p2 $0x1  }
0x17: {  	s4 =	simm.s32 $0x1BF5;
	[smem:$0x3FBB] =	sst s0  }
0x18: {  	s0 =	sld [smem:$0x3F9E];
	_ =	swait.ge [sflag:s4], $0x0  }
0x19: {  	s7 =	sld [smem:$0x3F9F]  }
0x1a: {  	s8 =	sadd.s32 $0xFFFFE003, lr  }
0x1b: {  	s9 =	sadd.s32 $0xFFFFFEF7, lr;
	s5 =	simm.s32 $0xFFFFFFFF;
	p2 =	slt.u32 s8, $0xFFFFF086  }
0x1c: {  	p1 =	slt.u32 s9, $0xF7A;
	s5 =	simm.s32 @!p2 $0x0  }
0x1d: {  	s5 =	simm.s32 @p1 $0x1;
	p0 =	seq.s32 s7, s2  }
0x1e: {  	s7 =	smul.u32 @!p0 $0xF7A, s2;
	p2 =	seq.s32 @!p0 s5, $0x0  }
0x1f: {  	s9 =	smul.u32 $0xF7A, s1;
	s8 =	simm.s32 @!p0 $0x1BF5;
	p2 =	por !p2, p0  }
0x20: {  	[sflag:s8] =	ssyncset.s32 @!p0 $0xFFFFF086;
	s6 =	sadd.s32 @!p0 s3, s7;
	s7 =	simm.s32 @!p0 $0x108  }
0x21: {  	s3 =	sadd.s32 s3, s9;
	s6 =	sadd.s32 @!p0 $0x88, s6;
	s7 =	simm.s32 @p2 $0x1082  }
0x22: {  	[simem:s7], [sflag:s8] =	dma.local @!p0 [hbm:s6], $0xF7A  }
0x23: {  	s9 =	sor.u32 $0xD0000000, s2;
	s6 =	simm.s32 $0x108;
	_ =	swait.ge @!p0 [sflag:s8], $0x0  }
0x24: {  	s3 =	sadd.s32 $0x88, s3;
	s6 =	simm.s32 @!p1 $0x1082;
	[sflag:s4] =	ssyncset.s32 $0xFFFFF086  }
0x25: {  	[simem:s6], [sflag:s4] =	dma.local [hbm:s3], $0xF7A  }
0x26: {  	[smem:$0x3F9F] =	sst s1;
	(tag) =	ssettag s2;
	_ =	strace s9  }
0x27: {  	s1 =	sld [smem:$0x3FAF]  }
0x28: {  	s2 =	sld [smem:$0x3FB0]  }
0x29: {  	s4 =	sld [smem:$0x3FB2]  }
0x2a: {  	p0 =	seq.s32 s5, $0x0;
	s5 =	sld [smem:$0x3FB3]  }
0x2b: {  	s6 =	sld [smem:$0x3FB4]  }
0x2c: {  	s7 =	sld [smem:$0x3FB5]  }
0x2d: {  	s3 =	simm.s32 $0x108;
	s8 =	sld [smem:$0x3FB6]  }
0x2e: {  	s3 =	simm.s32 @!p0 $0x1082;
	s9 =	sld [smem:$0x3FB7]  }
0x2f: {  	lr =	sadd.s32 s0, s3;
	s0 =	sld [smem:$0x3FAE]  }
0x30: {  	s3 =	sld [smem:$0x3FB1]  }
0x31: {  	[smem:$0x3FBA] =	sst s10  }
0x32: {  	s10 =	sld [smem:$0x3FB8];
	_ =	sdelay $0x3  }
0x33: {  	p0 =	seq.s32 s10, $0x1;
	s10 =	sld [smem:$0x3FBA];
	_ =	sdelay $0x3  }
0x34: {  	[smem:$0x3FBA] =	sst s10  }
0x35: {  	s10 =	sld [smem:$0x3FB9];
	_ =	sdelay $0x3  }
0x36: {  	p1 =	seq.s32 s10, $0x1;
	s10 =	sld [smem:$0x3FBA];
	_ =	sdelay $0x3  }
0x37: {  	[smem:$0x3FBA] =	sst s10  }
0x38: {  	s10 =	sld [smem:$0x3FBB]  }
0x39: {  	_ = 	snop;
	(pc) =	sbr.ind lr, $3  }
0x3a: {  	_ = 	snop  }
0x3b: {  	_ = 	snop  }
0x3c: {  	p2 =	seq.s32 s10, $0x1;
	s10 =	sld [smem:$0x3FBA]  }
0x3d: {  	_ =	shalt  }
0x3e: {  	_ =	shalt  }
0x3f: {  	_ =	shalt  }
0x40: {  	_ =	shalt  }
0x41: {  	_ =	shalt  }
0x42: {  	_ =	shalt  }
0x43: {  	_ =	shalt  }
0x44: {  	_ =	shalt  }
0x45: {  	_ =	shalt  }
0x46: {  	_ =	shalt  }
0x47: {  	_ =	shalt  }
0x48: {  	_ =	shalt  }
0x49: {  	_ =	shalt  }
0x4a: {  	_ =	shalt  }
0x4b: {  	_ =	shalt  }
0x4c: {  	_ =	shalt  }
0x4d: {  	_ =	shalt  }
0x4e: {  	_ =	shalt  }
0x4f: {  	_ =	shalt  }
0x50: {  	_ =	shalt  }
0x51: {  	_ =	shalt  }
0x52: {  	_ =	shalt  }
0x53: {  	_ =	shalt  }
0x54: {  	_ =	shalt  }
0x55: {  	_ =	shalt  }
0x56: {  	_ =	shalt  }
0x57: {  	_ =	shalt  }
0x58: {  	_ =	shalt  }
0x59: {  	_ =	shalt  }
0x5a: {  	_ =	shalt  }
0x5b: {  	_ =	shalt  }
0x5c: {  	_ =	shalt  }
0x5d: {  	_ =	shalt  }
0x5e: {  	_ =	shalt  }
0x5f: {  	_ =	shalt  }
0x60: {  	_ =	shalt  }
0x61: {  	_ =	shalt  }
0x62: {  	_ =	shalt  }
0x63: {  	_ =	shalt  }
0x64: {  	_ =	shalt  }
0x65: {  	_ =	shalt  }
0x66: {  	_ =	shalt  }
0x67: {  	_ =	shalt  }
0x68: {  	_ =	shalt  }
0x69: {  	_ =	shalt  }
0x6a: {  	_ =	shalt  }
0x6b: {  	_ =	shalt  }
0x6c: {  	_ =	shalt  }
0x6d: {  	_ =	shalt  }
0x6e: {  	_ =	shalt  }
0x6f: {  	_ =	shalt  }
0x70: {  	_ =	shalt  }
0x71: {  	_ =	shalt  }
0x72: {  	_ =	shalt  }
0x73: {  	_ =	shalt  }
0x74: {  	_ =	shalt  }
0x75: {  	_ =	shalt  }
0x76: {  	_ =	shalt  }
0x77: {  	_ =	shalt  }
0x78: {  	_ =	shalt  }
0x79: {  	_ =	shalt  }
0x7a: {  	_ =	shalt  }
0x7b: {  	_ =	shalt  }
0x7c: {  	_ =	shalt  }
0x7d: {  	_ =	shalt  }
0x7e: {  	_ =	shalt  }
0x7f: {  	_ =	shalt  }
0x80: {  	_ =	shalt  }
0x81: {  	_ =	shalt  }
0x82: {  	_ =	shalt  }
0x83: {  	_ =	shalt  }
0x84: {  	_ =	shalt  }
0x85: {  	_ =	shalt  }
0x86: {  	_ =	shalt  }
0x87: {  	_ =	shalt  }
.Lfunc_end0:
.L_simem_size_0:
called_computation.1_lowered:
.L_overlay_start_0:
0x88: {  	s2 =	sld [smem:$0x3FD9]  }
0x89: {  	s3 =	sld [smem:$0x3FFE];
	_ =	sdelay $0x1  }
0x8a: {  	s1 =	srdreg.scid  }
0x8b: {  	s0 =	sand.u32 $0x1, s1  }
0x8c: {  	s17 =	sshll.u32 s0, $0xA;
	s2 =	sadd.s32 s3, s2  }
0x8d: {  	s2 =	sadd.s32 s2, s17  }
0x8e: {  	[smem:$0x3FC6] =	sst s2  }
0x8f: {  	_ = 	snop  }
0x90: {  	s2 =	sld [smem:$0x3FD0];
	(tm) =	ssettm $0x1  }
0x91: {  	s18 =	sld [smem:$0x3FFB];
	_ =	sdelay $0x3  }
0x92: {  	_ =	strace s18  }
0x93: {  	s3 =	sld [smem:$0x3FFC];
	_ =	sdelay $0x3  }
0x94: {  	_ =	strace s3  }
0x95: {  	s3 =	sld [smem:$0x3FFD];
	_ =	sdelay $0x3  }
0x96: {  	_ =	strace s3  }
0x97: {  	_ =	strace $0x8FFFFFFF  }
0x98: {  	s19 =	sld [smem:$0x3FDB];
	_ =	sdelay $0x1  }
0x99: {  	s4 =	simm.s32 $_scs_section_size  }
0x9a: {  	s5 =	simm.s32 $_size__tile_overlayer_lowered;
	s6 =	simm.s32 $_tile_overlayer_lowered  }
0x9b: {  	s22 =	simm.s32 $0x1BFF;
	s21 =	sshll.u32 s6, $0x1;
	s3 =	sadd.s32 s4, s19  }
0x9c: {  	s7 =	simm.s32 $0x0;
	s20 =	sshll.u32 s5, $0x1;
	s5 =	sadd.s32 s21, s3  }
0x9d: {  	[timem:s7], [sflag:s22] =	dma.local [hbm:s5], s20  }
0x9e: {  	_ =	swait.ge [sflag:s22], s20  }
0x9f: {  	s4 =	ssub.s32 $0x0, s20;
	[sflag:s22] =	ssyncset.done $0x0  }
0xa0: {  	[sflag:s22] =	ssyncadd.s32 s4;
	_ =	sdelay $0x1  }
0xa1: {  	s23 =	simm.s32 $0x1B8B  }
0xa2: {  	_ =	swait.ge [sflag:s23], $0x1  }
0xa3: {  	[sflag:s23] =	ssyncset.done $0x0  }
0xa4: {  	s25 =	simm.s32 $0x1B8E;
	s24 =	sld [smem:$0x3FFE];
	[sflag:s23] =	ssyncadd.s32 $0xFFFFFFFF  }
0xa5: {  	s26 =	simm.s32 $execute0_lowered;
	[smem:$0x3FD2] =	sst s25  }
0xa6: {  	s5 =	sshll.u32 s26, $0x1;
	_ =	strace $0x80000046;
	[dreg:$0x1] =	wrdreg $0xFFFFFFFF  }
0xa7: {  	s28 =	simm.s32 $_size_execute0_lowered;
	s3 =	sadd.s32 s3, s5;
	[dreg:$0x0] =	wrdreg $0x0  }
0xa8: {  	s5 =	sshll.u32 s28, $0x1;
	[dreg:$0x2] =	wrdreg s3  }
0xa9: {  	[dreg:$0x3] =	wrdreg s5  }
0xaa: {  	[dreg:$0x4] =	wrdreg $0xC0  }
0xab: {  	_ =	task [dreg:s7], $0x5FFFF  }
0xac: {  	[dreg:$0x1] =	wrdreg $0xFFFFFFFF  }
0xad: {  	[dreg:$0x0] =	wrdreg $0x60  }
0xae: {  	[dreg:$0x2] =	wrdreg s24  }
0xaf: {  	[dreg:$0x3] =	wrdreg s2  }
0xb0: {  	[dreg:$0x4] =	wrdreg $0x9  }
0xb1: {  	_ =	task.clear_ibuf [dreg:s7], $0x5FFFF;
	_ =	strace $0x90000046  }
0xb2: {  	s29 =	simm.s32 $0x9;
	_ =	strace $0x80000048  }
0xb3: {  	_ =	swait.ge [sflag:s29], $0x1  }
0xb4: {  	[sflag:s29] =	ssyncadd.s32 $0xFFFFFFFF  }
0xb5: {  	_ =	strace $0x90000048  }
0xb6: {  	_ =	sfence  }
0xb7: {  	s30 =	sld [smem:$0x0];
	_ =	sdelay $0x2  }
0xb8: {  	s31 =	sshll.u32 s1, $0xD;
	s1 =	sshrl.u32 s1, $0x2  }
0xb9: {  	s3 =	sand.u32 $0x4000, s31;
	s1 =	sadd.s32 s1, s30  }
0xba: {  	s0 =	sor.u32 s3, s0;
	s1 =	sshll.u32 s1, $0x11  }
0xbb: {  	s0 =	sor.u32 s1, s0  }
0xbc: {  	s0 =	sadd.s32 $0x8F2B, s0  }
0xbd: {  	[sflag:s0] =	ssyncadd.remote.s32 $0x1  }
0xbe: {  	_ =	sfence.sel $0xFFFF  }
0xbf: {  	[dreg:$0x0] =	wrdreg $0xFFFFFFFF;
	(pc) =	sbr.abs _section_cstart, $3  }
0xc0: {  	[dreg:$0x1] =	wrdreg $0xFFFFFFFF  }
0xc1: {  	_ =	task.clear_ibuf [dreg:s7], $0x2FFFF;
	_ =	strace $0x9FFFFFFF  }
0xc2: {  	(tm) =	ssettm $0x7FFFFFFF  }
0xc3: {  	_ =	shalt  }
tec
execute0_lowered:
.L_overlay_start_1:
0x0: {  	(tag) =	ssettag $0x1  }
0x1: {  	s0 =	srdreg.scid  }
0x2: {  	s2 =	stileid.u32;
	s1 =	rddreg [dreg:$0x0]  }
0x3: {  	s10 =	simm.s32 $0x5;
	s11 =	simm.s32 $0x80;
	s12 =	simm.s32 $0x9600  }
0x4: {  	s20 =	simm.s32 $0x1;
	s21 =	simm.s32 $0x13600;
	s22 =	simm.s32 $0x15600  }
0x5: {  	s23 =	simm.s32 $0x17600;
	s24 =	simm.s32 $0x19600;
	s25 =	simm.s32 $0x1B600  }
0x6: {  	s26 =	simm.s32 $0x2;
	s28 =	simm.s32 $0x3;
	s29 =	simm.s32 $0x4  }
0x7: {  	s30 =	simm.s32 $0x0;
	s0 =	sand.u32 $0x1, s0;
	s3 =	sshll.u32 s2, $0x1  }
0x8: {  	s2 =	rddreg [dreg:$0x1];
	s5 =	sadd.s32 $0xF43000, s1;
	s7 =	sor.u32 s0, s3  }
0x9: {  	s3 =	simm.s32 $0x0;
	s0 =	ssub.s32 $0x2, s0;
	s4 =	smul.u32 $0xC80, s7  }
0xa: {  	[smem:$0x7FF] =	sst s3;
	s8 =	sshrl.u32 s0, $0x1;
	s7 =	smul.u32 $0x6400, s7  }
0xb: {  	_ =	strace $0x80000047;
	s0 =	ssub.s32 s0, s8;
	s6 =	sadd.s32 s4, s1  }
0xc: {  	s4 =	sadd.s32 $0x19C00, s1;
	s8 =	smax.u32 s0, $0x1;
	s6 =	sadd.s32 $0xC00, s6  }
.LBB2_1:
0xd: {  	s0 =	simm.s32 $0x6400  }
0xe: {  	[tilespmem:s0], [sflag:$0x5] =	stream.linear.gather [hbm4b:s4+s3], $0x3200, $0x38;
	[tilespmem:$0x1D600] =	vst v63  }
0xf: {  	_ =	swait.ge [sflag:s10], $0x3200  }
0x10: {  	[sflag:s10] =	ssyncset.done $0x0  }
0x11: {  	[sflag:s10] =	ssyncadd.s32 $0xFFFFCE00  }
0x12: {  	[tilespmem:s3], [sflag:$0x5] =	stream.linear.gather [hbm4b:s6+s3], $0x6400, $0x38;
	[tilespmem:$0x1D600] =	vst v63  }
0x13: {  	_ =	swait.ge [sflag:s10], $0x6400  }
0x14: {  	[sflag:s10] =	ssyncset.done $0x0  }
0x15: {  	[sflag:s10] =	ssyncadd.s32 $0xFFFF9C00  }
0x16: {  	[tilespmem:s12], [sflag:$0x1] =	stream.indirect.gather [hbm4b:s5+s11], $0x40, s3, s11, $0xb8;
	[tilespmem:$0x1D600] =	vst v63  }
0x17: {  	s14 =	simm.s32 $0xB600  }
0x18: {  	[tilespmem:s14], [sflag:$0x1] =	stream.indirect.gather [hbm4b:s5+s11], $0x40, s11, s11, $0xb8;
	[tilespmem:$0x1D600] =	vst v63  }
0x19: {  	s15 =	simm.s32 $0x100;
	s1 =	simm.s32 $0xD600  }
0x1a: {  	[tilespmem:s1], [sflag:$0x1] =	stream.indirect.gather [hbm4b:s5+s11], $0x40, s15, s11, $0xb8;
	[tilespmem:$0x1D600] =	vst v63  }
0x1b: {  	s16 =	simm.s32 $0x180;
	s17 =	simm.s32 $0xF600  }
0x1c: {  	[tilespmem:s17], [sflag:$0x1] =	stream.indirect.gather [hbm4b:s5+s11], $0x40, s16, s11, $0xb8;
	[tilespmem:$0x1D600] =	vst v63  }
0x1d: {  	s18 =	simm.s32 $0x200;
	s19 =	simm.s32 $0x11600;
	s31 =	simm.s32 $0x0  }
0x1e: {  	[tilespmem:s19], [sflag:$0x1] =	stream.indirect.gather [hbm4b:s5+s11], $0x40, s18, s11, $0xb8;
	[tilespmem:$0x1D600] =	vst v63  }
.LBB2_2:
0x1f: {  	_ =	swait.ge [sflag:s20], $0xA000  }
0x20: {  	s0 =	sshll.u32 s31, $0x1;
	p0 =	seq.s32 s31, $0x0;
	[sflag:s20] =	ssyncset.done $0x0  }
0x21: {  	s9 =	simm.s32 @!p0 $0x4;
	s1 =	sor.u32 $0x1, s0;
	[sflag:s20] =	ssyncadd.s32 $0xFFFF6000  }
0x22: {  	s0 =	smul.u32 $0xA00, s1;
	_ =	swait.ge @!p0 [sflag:s9], $0xA000  }
0x23: {  	[sflag:s9] =	ssyncset.done @!p0 $0x0  }
0x24: {  	s0 =	sshra.s32 s0, $0x2;
	[sflag:s9] =	ssyncadd.s32 @!p0 $0xFFFF6000  }
0x25: {  	[tilespmem:s21], [sflag:$0x2] =	stream.indirect.gather [hbm4b:s5+s11], $0x40, s0, s11, $0xb8;
	[tilespmem:$0x1D600] =	vst v63  }
0x26: {  	s15 =	sadd.s32 $0x80, s0  }
0x27: {  	[tilespmem:s22], [sflag:$0x2] =	stream.indirect.gather [hbm4b:s5+s11], $0x40, s15, s11, $0xb8;
	[tilespmem:$0x1D600] =	vst v63  }
0x28: {  	s16 =	sadd.s32 $0x100, s0  }
0x29: {  	[tilespmem:s23], [sflag:$0x2] =	stream.indirect.gather [hbm4b:s5+s11], $0x40, s16, s11, $0xb8;
	[tilespmem:$0x1D600] =	vst v63  }
0x2a: {  	s18 =	smul.u32 $0x500, s31;
	s17 =	sadd.s32 $0x180, s0  }
0x2b: {  	[tilespmem:s24], [sflag:$0x2] =	stream.indirect.gather [hbm4b:s5+s11], $0x40, s17, s11, $0xb8;
	[tilespmem:$0x1D600] =	vst v63  }
0x2c: {  	s19 =	sand.u32 $0xFFF8, s18;
	s0 =	sadd.s32 $0x200, s0  }
0x2d: {  	[tilespmem:s25], [sflag:$0x2] =	stream.indirect.gather [hbm4b:s5+s11], $0x40, s0, s11, $0xb8;
	[tilespmem:$0x1D600] =	vst v63  }
0x2e: {  	s0 =	sshrl.u32 s19, $0x3  }
0x2f: {  	s13 =	smul.u32 $0x147B, s0;
	s0 =	simm.s32 $0x0  }
0x30: {  	v7 =	vld [tilespmem:s0+$0x96F0]  }
0x31: {  	v20 =	vld [tilespmem:s0+$0x96B0]  }
0x32: {  	v10 =	vld [tilespmem:s0+$0x9620]  }
0x33: {  	v15 =	vld [tilespmem:s0+$0x9660]  }
0x34: {  	v3 =	vld [tilespmem:s0+$0x96A0]  }
0x35: {  	v0 =	vld [tilespmem:s0+$0x96C0]  }
0x36: {  	v4 =	vld [tilespmem:s0+$0x9670]  }
0x37: {  	v1 =	vld [tilespmem:s0+$0x96E0];
	s13 =	sshrl.u32 s13, $0x11  }
0x38: {  	v6 =	vld [tilespmem:s0+$0x9650];
	s13 =	smul.u32 $0xC8, s13  }
0x39: {  	v2 =	vld [tilespmem:s0+$0x9640]  }
0x3a: {  	v22 =	vld [tilespmem:s0+$0x9680];
	s13 =	ssub.s32 s18, s13  }
0x3b: {  	v14 =	vld [tilespmem:s0+$0x9690];
	s14 =	sand.u32 $0xFFFF, s13  }
0x3c: {  	v5 =	vld [tilespmem:s0+$0x9610];
	s13 =	sadd.s32 $0x1, s14;
	s16 =	sshll.u32 s14, $0x8  }
0x3d: {  	v12 =	vld [tilespmem:s0+$0x9600];
	p0 =	seq.s32 s13, $0xC8;
	s16 =	sshra.s32 s16, $0x2  }
0x3e: {  	s13 =	simm.s32 @p0 $0x0;
	v17 =	vld [tilespmem:s16+$0x6420]  }
0x3f: {  	v8 =	vld [tilespmem:s16+$0x6410];
	s15 =	sadd.s32 $0x1, s13;
	s13 =	sshll.u32 s13, $0x8  }
0x40: {  	v11 =	vld [tilespmem:s16+$0x6400];
	s13 =	sshra.s32 s13, $0x2  }
0x41: {  	p0 =	seq.s32 s15, $0xC8;
	v13 =	vld [tilespmem:s13+$0x6430]  }
0x42: {  	s15 =	simm.s32 @p0 $0x0;
	v24 =	vld [tilespmem:s13+$0x6420]  }
0x43: {  	v16 =	vld [tilespmem:s13+$0x6410];
	s17 =	sadd.s32 $0x1, s15;
	s15 =	sshll.u32 s15, $0x8  }
0x44: {  	p0 =	seq.s32 s17, $0xC8;
	s15 =	sshra.s32 s15, $0x2;
	s17 =	sshll.u32 s17, $0x6;
	v5 =	vadd.f32 v8, v5;
	v8 =	vld [tilespmem:s16+$0x6430]  }
0x45: {  	s17 =	simm.s32 @p0 $0x0;
	v19 =	vld [tilespmem:s15+$0x6410]  }
0x46: {  	v21 =	vld [tilespmem:s17+$0x6430]  }
0x47: {  	v23 =	vld [tilespmem:s15+$0x6400]  }
0x48: {  	v25 =	vld [tilespmem:s15+$0x6430]  }
0x49: {  	v18 =	vld [tilespmem:s15+$0x6420]  }
0x4a: {  	v9 =	vld [tilespmem:s17+$0x6420]  }
0x4b: {  	s9 =	sadd.s32 s7, s18;
	v21 =	vadd.f32 v21, v7;
	v7 =	vadd.f32 v19, v14;
	v14 =	vld [tilespmem:s13+$0x6400];
	s13 =	sadd.s32 $0x4, s14  }
0x4c: {  	s9 =	sshll.u32 s9, $0x3;
	v19 =	vadd.f32 v17, v10;
	v17 =	vadd.f32 v24, v15;
	v15 =	vld [tilespmem:s17+$0x6410];
	s14 =	sadd.s32 $0xFFFFFF3C, s14;
	p0 =	sgt.s32 s13, $0xC7  }
0x4d: {  	s9 =	sadd.s32 s2, s9;
	s16 =	simm.s32 $0x400;
	v10 =	vadd.f32 v23, v22;
	v22 =	vadd.f32 v25, v20;
	v20 =	vld [tilespmem:s17+$0x6400];
	s13 =	smov.u32 @p0 s14  }
.LBB2_3:
0x4e: {  	s18 =	sadd.s32 $0x1, s13  }
0x4f: {  	s17 =	sshra.s32 s16, $0x2;
	s14 =	sshll.u32 s13, $0x8;
	v6 =	vadd.f32 v16, v6;
	v3 =	vadd.f32 v18, v3;
	v16 =	vld [tilespmem:s0+$0x96D0];
	[tilespmem:s0+$0x96F0] =	vst v21;
	s15 =	smov.u32 s16  }
0x50: {  	v4 =	vadd.f32 v13, v4;
	p0 =	seq.s32 s18, $0xC8;
	s15 =	sshra.s32 s14, $0x2;
	v21 =	vld [tilespmem:s17+$0x96F0];
	s14 =	sadd.s32 $0x400, s16;
	[tilespmem:s0+$0x96B0] =	vst v22  }
0x51: {  	s18 =	simm.s32 @p0 $0x0;
	v22 =	vld [tilespmem:s17+$0x96B0];
	p0 =	sne.s32 s16, $0x27C00;
	[tilespmem:s0+$0x9620] =	vst v19  }
0x52: {  	v11 =	vadd.f32 v11, v12;
	v1 =	vadd.f32 v9, v1;
	s19 =	sadd.s32 $0x1, s18;
	v19 =	vld [tilespmem:s17+$0x9620];
	s16 =	sshll.u32 s18, $0x8;
	[tilespmem:s0+$0x9660] =	vst v17  }
0x53: {  	v2 =	vadd.f32 v14, v2;
	p1 =	seq.s32 s19, $0xC8;
	s16 =	sshra.s32 s16, $0x2;
	v17 =	vld [tilespmem:s17+$0x9660];
	v0 =	vadd.f32 v20, v0;
	[tilespmem:s0+$0x96A0] =	vst v3  }
0x54: {  	s19 =	simm.s32 @p1 $0x0;
	v9 =	vld [tilespmem:s0+$0x9630];
	v12 =	vadd.f32 v15, v16;
	[tilespmem:s0+$0x9670] =	vst v4  }
0x55: {  	s18 =	sadd.s32 $0x1, s19;
	s19 =	sshll.u32 s19, $0x8;
	v3 =	vld [tilespmem:s17+$0x96A0];
	[tilespmem:s0+$0x96C0] =	vst v0  }
0x56: {  	p1 =	seq.s32 s18, $0xC8;
	s19 =	sshra.s32 s19, $0x2;
	v0 =	vld [tilespmem:s17+$0x96C0];
	s18 =	sshll.u32 s18, $0x6;
	[tilespmem:s0+$0x9600] =	vst v11  }
0x57: {  	v4 =	vld [tilespmem:s17+$0x9670];
	s18 =	simm.s32 @p1 $0x0;
	[tilespmem:s0+$0x96E0] =	vst v1  }
0x58: {  	v1 =	vld [tilespmem:s17+$0x96E0];
	[tilespmem:s0+$0x9650] =	vst v6  }
0x59: {  	v6 =	vld [tilespmem:s17+$0x9650];
	v8 =	vadd.f32 v8, v9;
	[tilespmem:s0+$0x9640] =	vst v2  }
0x5a: {  	v2 =	vld [tilespmem:s17+$0x9640];
	[tilespmem:s0+$0x9680] =	vst v10  }
0x5b: {  	[tilespmem:s0+$0x9690] =	vst v7  }
0x5c: {  	v10 =	vld [tilespmem:s17+$0x9680];
	[tilespmem:s0+$0x96D0] =	vst v12  }
0x5d: {  	v7 =	vld [tilespmem:s17+$0x9690];
	[tilespmem:s0+$0x9610] =	vst v5  }
0x5e: {  	v5 =	vld [tilespmem:s17+$0x9610];
	[tilespmem:s0+$0x9630] =	vst v8;
	s0 =	smov.u32 s17  }
0x5f: {  	v14 =	vld [tilespmem:s15+$0x6420]  }
0x60: {  	v15 =	vld [tilespmem:s19+$0x6410]  }
0x61: {  	v9 =	vld [tilespmem:s18+$0x6420]  }
0x62: {  	v20 =	vld [tilespmem:s19+$0x6400]  }
0x63: {  	v8 =	vld [tilespmem:s15+$0x6410]  }
0x64: {  	v11 =	vld [tilespmem:s15+$0x6400]  }
0x65: {  	v13 =	vld [tilespmem:s16+$0x6430]  }
0x66: {  	v23 =	vld [tilespmem:s18+$0x6430]  }
0x67: {  	v12 =	vld [tilespmem:s0+$0x9600]  }
0x68: {  	v24 =	vld [tilespmem:s16+$0x6420]  }
0x69: {  	v5 =	vadd.f32 v8, v5;
	v25 =	vld [tilespmem:s19+$0x6430]  }
0x6a: {  	v18 =	vld [tilespmem:s19+$0x6420]  }
.Ltmp0:
0x6b: {  	v16 =	vld [tilespmem:s16+$0x6410];
	v21 =	vadd.f32 v23, v21;
	(pc) =	sbr.rel @p0 .LBB2_3-.Ltmp0, $4  }
0x6c: {  	v7 =	vadd.f32 v15, v7;
	v8 =	vld [tilespmem:s15+$0x6430];
	s15 =	sadd.s32 $0x4, s13  }
0x6d: {  	v19 =	vadd.f32 v14, v19;
	s13 =	sadd.s32 $0xFFFFFF3C, s13;
	v14 =	vld [tilespmem:s16+$0x6400];
	v17 =	vadd.f32 v24, v17;
	p1 =	sgt.s32 s15, $0xC7  }
0x6e: {  	v10 =	vadd.f32 v20, v10;
	v22 =	vadd.f32 v25, v22;
	v15 =	vld [tilespmem:s18+$0x6410];
	s15 =	smov.u32 @p1 s13  }
0x6f: {  	s16 =	smov.u32 s14;
	v20 =	vld [tilespmem:s18+$0x6400];
	s13 =	smov.u32 s15  }
0x70: {  	[tilespmem:s0+$0x96F0] =	vst v21  }
0x71: {  	[tilespmem:s0+$0x96B0] =	vst v22  }
0x72: {  	[tilespmem:s0+$0x9620] =	vst v19  }
0x73: {  	[tilespmem:s0+$0x9660] =	vst v17  }
0x74: {  	[tilespmem:s0+$0x9680] =	vst v10  }
0x75: {  	v3 =	vadd.f32 v18, v3;
	[tilespmem:s0+$0x9690] =	vst v7  }
0x76: {  	v4 =	vadd.f32 v13, v4;
	[tilespmem:s0+$0x9610] =	vst v5  }
0x77: {  	v11 =	vadd.f32 v11, v12;
	[tilespmem:s0+$0x96A0] =	vst v3;
	v3 =	vld [tilespmem:s0+$0x9630]  }
0x78: {  	v23 =	vld [tilespmem:s0+$0x96D0];
	v1 =	vadd.f32 v9, v1;
	[tilespmem:s0+$0x9670] =	vst v4  }
0x79: {  	[tilespmem:s0+$0x9600] =	vst v11;
	v0 =	vadd.f32 v20, v0  }
0x7a: {  	v2 =	vadd.f32 v14, v2;
	[tilespmem:s0+$0x96E0] =	vst v1  }
0x7b: {  	[tilespmem:s0+$0x96C0] =	vst v0;
	v0 =	vadd.f32 v16, v6  }
0x7c: {  	[tilespmem:s0+$0x9640] =	vst v2;
	v1 =	vadd.f32 v8, v3  }
0x7d: {  	[tilespmem:s0+$0x9650] =	vst v0;
	v0 =	vadd.f32 v15, v23  }
0x7e: {  	[tilespmem:s0+$0x9630] =	vst v1  }
0x7f: {  	[tilespmem:s0+$0x96D0] =	vst v0  }
0x80: {  	[hbm4b:s9+s3] =	stream.linear.scatter [tilespmem:s12], [sflag:$0x3], $0xA000, $0x38;
	[tilespmem:$0x1D600] =	vst v63  }
0x81: {  	_ =	swait.ge [sflag:s26], $0xA000  }
0x82: {  	p0 =	seq.s32 s31, $0x13;
	[sflag:s26] =	ssyncset.done $0x0  }
0x83: {  	s0 =	smul.u32 @!p0 $0x1400, s31;
	[sflag:s26] =	ssyncadd.s32 $0xFFFF6000  }
0x84: {  	_ =	swait.ge [sflag:s28], $0xA000  }
0x85: {  	s13 =	simm.s32 @!p0 $0x80;
	s0 =	sshra.s32 @!p0 s0, $0x2;
	[sflag:s28] =	ssyncset.done $0x0  }
0x86: {  	s14 =	simm.s32 @!p0 $0x9600;
	s9 =	sadd.s32 @!p0 $0x500, s0;
	[sflag:s28] =	ssyncadd.s32 $0xFFFF6000  }
0x87: {  	[tilespmem:s14], [sflag:$0x1] =	stream.indirect.gather @!p0 [hbm4b:s5+s13], $0x40, s9, s13, $0xb8;
	[tilespmem:$0x1D600] =	vst v63  }
0x88: {  	s9 =	sadd.s32 @!p0 $0x580, s0;
	s14 =	simm.s32 @!p0 $0xB600  }
0x89: {  	[tilespmem:s14], [sflag:$0x1] =	stream.indirect.gather @!p0 [hbm4b:s5+s13], $0x40, s9, s13, $0xb8;
	[tilespmem:$0x1D600] =	vst v63  }
0x8a: {  	s9 =	sadd.s32 @!p0 $0x600, s0;
	s14 =	simm.s32 @!p0 $0xD600  }
0x8b: {  	[tilespmem:s14], [sflag:$0x1] =	stream.indirect.gather @!p0 [hbm4b:s5+s13], $0x40, s9, s13, $0xb8;
	[tilespmem:$0x1D600] =	vst v63  }
0x8c: {  	s9 =	sadd.s32 @!p0 $0x680, s0;
	s14 =	simm.s32 @!p0 $0xF600  }
0x8d: {  	[tilespmem:s14], [sflag:$0x1] =	stream.indirect.gather @!p0 [hbm4b:s5+s13], $0x40, s9, s13, $0xb8;
	[tilespmem:$0x1D600] =	vst v63  }
0x8e: {  	s19 =	smul.u32 $0x280, s1;
	s1 =	simm.s32 @!p0 $0x11600;
	s0 =	sadd.s32 @!p0 $0x700, s0  }
0x8f: {  	[tilespmem:s1], [sflag:$0x1] =	stream.indirect.gather @!p0 [hbm4b:s5+s13], $0x40, s0, s13, $0xb8;
	[tilespmem:$0x1D600] =	vst v63  }
0x90: {  	s1 =	simm.s32 $0x0  }
0x91: {  	v7 =	vld [tilespmem:s1+$0x136F0]  }
0x92: {  	v20 =	vld [tilespmem:s1+$0x136B0]  }
0x93: {  	v11 =	vld [tilespmem:s1+$0x13620]  }
0x94: {  	v15 =	vld [tilespmem:s1+$0x13660]  }
0x95: {  	v3 =	vld [tilespmem:s1+$0x136A0]  }
0x96: {  	v0 =	vld [tilespmem:s1+$0x136C0]  }
0x97: {  	s17 =	smulhi.u32 $0x51EB851F, s19;
	v4 =	vld [tilespmem:s1+$0x13670]  }
0x98: {  	v1 =	vld [tilespmem:s1+$0x136E0]  }
0x99: {  	s0 =	sshrl.u32 s17, $0x6;
	v6 =	vld [tilespmem:s1+$0x13650]  }
0x9a: {  	s0 =	smul.u32 $0xC8, s0;
	v2 =	vld [tilespmem:s1+$0x13640]  }
0x9b: {  	v22 =	vld [tilespmem:s1+$0x13680]  }
0x9c: {  	v14 =	vld [tilespmem:s1+$0x13690];
	s0 =	ssub.s32 s19, s0  }
0x9d: {  	v5 =	vld [tilespmem:s1+$0x13610];
	s13 =	sadd.s32 $0x1, s0;
	s15 =	sshll.u32 s0, $0x8  }
0x9e: {  	v12 =	vld [tilespmem:s1+$0x13600];
	p0 =	seq.s32 s13, $0xC8;
	s15 =	sshra.s32 s15, $0x2  }
0x9f: {  	s13 =	simm.s32 @p0 $0x0;
	v17 =	vld [tilespmem:s15+$0x6420]  }
0xa0: {  	v8 =	vld [tilespmem:s15+$0x6410];
	s14 =	sadd.s32 $0x1, s13;
	s13 =	sshll.u32 s13, $0x8  }
0xa1: {  	v10 =	vld [tilespmem:s15+$0x6400];
	s13 =	sshra.s32 s13, $0x2  }
0xa2: {  	p0 =	seq.s32 s14, $0xC8;
	v13 =	vld [tilespmem:s13+$0x6430]  }
0xa3: {  	s14 =	simm.s32 @p0 $0x0;
	v24 =	vld [tilespmem:s13+$0x6420]  }
0xa4: {  	v16 =	vld [tilespmem:s13+$0x6410];
	s16 =	sadd.s32 $0x1, s14;
	s14 =	sshll.u32 s14, $0x8  }
0xa5: {  	p0 =	seq.s32 s16, $0xC8;
	s14 =	sshra.s32 s14, $0x2;
	s16 =	sshll.u32 s16, $0x6;
	v5 =	vadd.f32 v8, v5;
	v8 =	vld [tilespmem:s15+$0x6430]  }
0xa6: {  	s16 =	simm.s32 @p0 $0x0;
	v19 =	vld [tilespmem:s14+$0x6410]  }
0xa7: {  	v21 =	vld [tilespmem:s16+$0x6430]  }
0xa8: {  	v23 =	vld [tilespmem:s14+$0x6400]  }
0xa9: {  	v25 =	vld [tilespmem:s14+$0x6430]  }
0xaa: {  	v18 =	vld [tilespmem:s14+$0x6420]  }
0xab: {  	s9 =	sadd.s32 s7, s19;
	v9 =	vld [tilespmem:s16+$0x6420]  }
0xac: {  	s18 =	sshll.u32 s9, $0x3;
	s9 =	sadd.s32 $0x4, s0;
	v21 =	vadd.f32 v21, v7;
	v7 =	vadd.f32 v19, v14;
	v14 =	vld [tilespmem:s13+$0x6400]  }
0xad: {  	s19 =	sand.u32 $0x1FFFFC00, s18;
	p0 =	sgt.s32 s9, $0xC7;
	s14 =	sadd.s32 $0xFFFFFF3C, s0;
	v19 =	vadd.f32 v17, v11;
	v17 =	vadd.f32 v24, v15;
	v15 =	vld [tilespmem:s16+$0x6410]  }
0xae: {  	s15 =	simm.s32 $0x400;
	s0 =	sadd.s32 s2, s19;
	s9 =	smov.u32 @p0 s14;
	v11 =	vadd.f32 v23, v22;
	v22 =	vadd.f32 v25, v20;
	v20 =	vld [tilespmem:s16+$0x6400]  }
.LBB2_5:
0xaf: {  	s17 =	sadd.s32 $0x1, s9  }
0xb0: {  	s16 =	sshra.s32 s15, $0x2;
	s13 =	sshll.u32 s9, $0x8;
	v6 =	vadd.f32 v16, v6;
	v3 =	vadd.f32 v18, v3;
	v16 =	vld [tilespmem:s1+$0x136D0];
	[tilespmem:s1+$0x136F0] =	vst v21;
	s14 =	smov.u32 s15  }
0xb1: {  	v4 =	vadd.f32 v13, v4;
	p0 =	seq.s32 s17, $0xC8;
	s14 =	sshra.s32 s13, $0x2;
	v21 =	vld [tilespmem:s16+$0x136F0];
	s13 =	sadd.s32 $0x400, s15;
	[tilespmem:s1+$0x136B0] =	vst v22  }
0xb2: {  	s17 =	simm.s32 @p0 $0x0;
	v22 =	vld [tilespmem:s16+$0x136B0];
	p0 =	sne.s32 s15, $0x27C00;
	[tilespmem:s1+$0x13620] =	vst v19  }
0xb3: {  	v10 =	vadd.f32 v10, v12;
	v1 =	vadd.f32 v9, v1;
	s18 =	sadd.s32 $0x1, s17;
	v19 =	vld [tilespmem:s16+$0x13620];
	s15 =	sshll.u32 s17, $0x8;
	[tilespmem:s1+$0x13660] =	vst v17  }
0xb4: {  	v2 =	vadd.f32 v14, v2;
	p1 =	seq.s32 s18, $0xC8;
	s15 =	sshra.s32 s15, $0x2;
	v17 =	vld [tilespmem:s16+$0x13660];
	v0 =	vadd.f32 v20, v0;
	[tilespmem:s1+$0x136A0] =	vst v3  }
0xb5: {  	s18 =	simm.s32 @p1 $0x0;
	v9 =	vld [tilespmem:s1+$0x13630];
	v12 =	vadd.f32 v15, v16;
	[tilespmem:s1+$0x13670] =	vst v4  }
0xb6: {  	s17 =	sadd.s32 $0x1, s18;
	s18 =	sshll.u32 s18, $0x8;
	v3 =	vld [tilespmem:s16+$0x136A0];
	[tilespmem:s1+$0x136C0] =	vst v0  }
0xb7: {  	p1 =	seq.s32 s17, $0xC8;
	s18 =	sshra.s32 s18, $0x2;
	v0 =	vld [tilespmem:s16+$0x136C0];
	s17 =	sshll.u32 s17, $0x6;
	[tilespmem:s1+$0x13600] =	vst v10  }
0xb8: {  	v4 =	vld [tilespmem:s16+$0x13670];
	s17 =	simm.s32 @p1 $0x0;
	[tilespmem:s1+$0x136E0] =	vst v1  }
0xb9: {  	v1 =	vld [tilespmem:s16+$0x136E0];
	[tilespmem:s1+$0x13650] =	vst v6  }
0xba: {  	v6 =	vld [tilespmem:s16+$0x13650];
	v8 =	vadd.f32 v8, v9;
	[tilespmem:s1+$0x13640] =	vst v2  }
0xbb: {  	v2 =	vld [tilespmem:s16+$0x13640];
	[tilespmem:s1+$0x13680] =	vst v11  }
0xbc: {  	[tilespmem:s1+$0x13690] =	vst v7  }
0xbd: {  	v11 =	vld [tilespmem:s16+$0x13680];
	[tilespmem:s1+$0x136D0] =	vst v12  }
0xbe: {  	v7 =	vld [tilespmem:s16+$0x13690];
	[tilespmem:s1+$0x13610] =	vst v5  }
0xbf: {  	v5 =	vld [tilespmem:s16+$0x13610];
	[tilespmem:s1+$0x13630] =	vst v8;
	s1 =	smov.u32 s16  }
0xc0: {  	v14 =	vld [tilespmem:s14+$0x6420]  }
0xc1: {  	v15 =	vld [tilespmem:s18+$0x6410]  }
0xc2: {  	v9 =	vld [tilespmem:s17+$0x6420]  }
0xc3: {  	v20 =	vld [tilespmem:s18+$0x6400]  }
0xc4: {  	v8 =	vld [tilespmem:s14+$0x6410]  }
0xc5: {  	v10 =	vld [tilespmem:s14+$0x6400]  }
0xc6: {  	v13 =	vld [tilespmem:s15+$0x6430]  }
0xc7: {  	v23 =	vld [tilespmem:s17+$0x6430]  }
0xc8: {  	v12 =	vld [tilespmem:s1+$0x13600]  }
0xc9: {  	v24 =	vld [tilespmem:s15+$0x6420]  }
0xca: {  	v5 =	vadd.f32 v8, v5;
	v25 =	vld [tilespmem:s18+$0x6430]  }
0xcb: {  	v18 =	vld [tilespmem:s18+$0x6420]  }
.Ltmp1:
0xcc: {  	v16 =	vld [tilespmem:s15+$0x6410];
	v21 =	vadd.f32 v23, v21;
	(pc) =	sbr.rel @p0 .LBB2_5-.Ltmp1, $4  }
0xcd: {  	v7 =	vadd.f32 v15, v7;
	v8 =	vld [tilespmem:s14+$0x6430];
	s14 =	sadd.s32 $0x4, s9  }
0xce: {  	v19 =	vadd.f32 v14, v19;
	s9 =	sadd.s32 $0xFFFFFF3C, s9;
	v14 =	vld [tilespmem:s15+$0x6400];
	v17 =	vadd.f32 v24, v17;
	p1 =	sgt.s32 s14, $0xC7  }
0xcf: {  	v11 =	vadd.f32 v20, v11;
	v22 =	vadd.f32 v25, v22;
	v15 =	vld [tilespmem:s17+$0x6410];
	s14 =	smov.u32 @p1 s9  }
0xd0: {  	s15 =	smov.u32 s13;
	v20 =	vld [tilespmem:s17+$0x6400];
	s9 =	smov.u32 s14  }
0xd1: {  	[tilespmem:s1+$0x136F0] =	vst v21  }
0xd2: {  	[tilespmem:s1+$0x136B0] =	vst v22  }
0xd3: {  	[tilespmem:s1+$0x13620] =	vst v19  }
0xd4: {  	[tilespmem:s1+$0x13660] =	vst v17  }
0xd5: {  	[tilespmem:s1+$0x13680] =	vst v11  }
0xd6: {  	v3 =	vadd.f32 v18, v3;
	[tilespmem:s1+$0x13690] =	vst v7  }
0xd7: {  	v4 =	vadd.f32 v13, v4;
	[tilespmem:s1+$0x13610] =	vst v5  }
0xd8: {  	v23 =	vld [tilespmem:s1+$0x136D0];
	v10 =	vadd.f32 v10, v12;
	[tilespmem:s1+$0x136A0] =	vst v3  }
0xd9: {  	v60 =	vld [tilespmem:s1+$0x13630];
	v1 =	vadd.f32 v9, v1;
	[tilespmem:s1+$0x13670] =	vst v4  }
0xda: {  	v61 =	vadd.f32 v16, v6;
	[tilespmem:s1+$0x13600] =	vst v10  }
0xdb: {  	s31 =	sadd.s32 $0x1, s31;
	v2 =	vadd.f32 v14, v2;
	[tilespmem:s1+$0x136E0] =	vst v1  }
0xdc: {  	p0 =	sne.s32 s31, $0x14;
	[tilespmem:s1+$0x13650] =	vst v61;
	v0 =	vadd.f32 v20, v0  }
.Ltmp2:
0xdd: {  	[tilespmem:s1+$0x13640] =	vst v2;
	v62 =	vadd.f32 v15, v23;
	(pc) =	sbr.rel @p0 .LBB2_2-.Ltmp2, $4  }
0xde: {  	v63 =	vadd.f32 v8, v60;
	[tilespmem:s1+$0x136C0] =	vst v0  }
0xdf: {  	[tilespmem:s1+$0x136D0] =	vst v62  }
0xe0: {  	[tilespmem:s1+$0x13630] =	vst v63  }
0xe1: {  	[hbm4b:s0+s3] =	stream.linear.scatter [tilespmem:s21], [sflag:$0x4], $0xA000, $0x38;
	[tilespmem:$0x1D600] =	vst v63  }
0xe2: {  	s30 =	sadd.s32 $0x1, s30  }
0xe3: {  	p0 =	sne.s32 s30, s8  }
.Ltmp3:
0xe4: {  	_ = 	snop;
	(pc) =	sbr.rel @p0 .LBB2_1-.Ltmp3, $4  }
0xe5: {  	_ = 	snop  }
0xe6: {  	_ =	swait.ge [sflag:s29], $0xA000  }
0xe7: {  	[sflag:s29] =	ssyncset.done $0x0  }
0xe8: {  	[sflag:s29] =	ssyncadd.s32 $0xFFFF6000  }
0xe9: {  	_ =	sfence.sel $0x180000  }
0xea: {  	[bflag:$0x0] =	sbarrier.arrive $0xFFFF  }
0xeb: {  	_ =	strace $0x90000047  }
0xec: {  	s0 =	stileid.u32;
	[bflag:$0x2] =	sbarrier.arrive $0xFFFF  }
0xed: {  	p0 =	sne.s32 s0, $0x0;
	s0 =	rddreg [dreg:$0x2]  }
0xee: {  	s0 =	sadd.s32 @!p0 $0x100000, s0  }
0xef: {  	[sflag:s0] =	ssyncadd.tile.s32 @!p0 $0x1;
	_ =	shalt  }
.Lfunc_end2:
_tile_overlayer_lowered:
.L_overlay_start_2:
0xf0: {  	(tag) =	ssettag $0x2  }
0xf1: {  	s0 =	rddreg [dreg:$0x0];
	s2 =	stileid.u32  }
0xf2: {  	s1 =	rddreg [dreg:$0x1];
	p0 =	sne.s32 s2, $0x0  }
0xf3: {  	s3 =	rddreg [dreg:$0x2];
	[bflag:$0x3] =	sbarrier.arrive $0xFFFF;
	s2 =	simm.s32 @!p0 $0x1C05  }
0xf4: {  	[timem:s3], [sflag:s2] =	dma.local @!p0 [hbm:s0], s1  }
0xf5: {  	s0 =	simm.s32 @!p0 $0x5  }
0xf6: {  	_ =	swait.ge @!p0 [sflag:s0], s1  }
0xf7: {  	s1 =	ssub.s32 @!p0 $0x0, s1;
	[sflag:s0] =	ssyncset.done @!p0 $0x0  }
0xf8: {  	[sflag:s0] =	ssyncadd.s32 @!p0 s1  }
0xf9: {  	[bflag:$0x3] =	sbarrier.arrive $0xFFFF  }
0xfa: {  	_ =	shalt  }

// kernel: sparse-core-data-format-call.cloned.1.call-start
scs
called_computation_lowered:
.L_overlay_start_0:
0x0: {  	s2 =	sld [smem:$0x3FD9]  }
0x1: {  	s3 =	sld [smem:$0x3FFE];
	_ =	sdelay $0x1  }
0x2: {  	s1 =	srdreg.scid  }
0x3: {  	s0 =	sand.u32 $0x1, s1  }
0x4: {  	s18 =	sshll.u32 s0, $0xA;
	s2 =	sadd.s32 s3, s2  }
0x5: {  	s2 =	sadd.s32 s2, s18  }
0x6: {  	[smem:$0x3FC6] =	sst s2  }
0x7: {  	_ = 	snop  }
0x8: {  	s2 =	sld [smem:$0x3FD0];
	(tm) =	ssettm $0x1  }
0x9: {  	s19 =	sld [smem:$0x3FFB];
	_ =	sdelay $0x3  }
0xa: {  	_ =	strace s19  }
0xb: {  	s3 =	sld [smem:$0x3FFC];
	_ =	sdelay $0x3  }
0xc: {  	_ =	strace s3  }
0xd: {  	s3 =	sld [smem:$0x3FFD];
	_ =	sdelay $0x3  }
0xe: {  	_ =	strace s3  }
0xf: {  	_ =	strace $0x8FFFFFFF  }
0x10: {  	s20 =	sld [smem:$0x3FDB];
	_ =	sdelay $0x1  }
0x11: {  	s4 =	simm.s32 $_scs_section_size  }
0x12: {  	s5 =	simm.s32 $_size__tile_overlayer_lowered;
	s6 =	simm.s32 $_tile_overlayer_lowered  }
0x13: {  	s23 =	simm.s32 $0x1BFF;
	s22 =	sshll.u32 s6, $0x1;
	s3 =	sadd.s32 s4, s20  }
0x14: {  	s7 =	simm.s32 $0x0;
	s21 =	sshll.u32 s5, $0x1;
	s5 =	sadd.s32 s22, s3  }
0x15: {  	[timem:s7], [sflag:s23] =	dma.local [hbm:s5], s21  }
0x16: {  	_ =	swait.ge [sflag:s23], s21  }
0x17: {  	s4 =	ssub.s32 $0x0, s21;
	[sflag:s23] =	ssyncset.done $0x0  }
0x18: {  	[sflag:s23] =	ssyncadd.s32 s4;
	_ =	sdelay $0x1  }
0x19: {  	s24 =	simm.s32 $0x1B8B  }
0x1a: {  	_ =	swait.ge [sflag:s24], $0x1  }
0x1b: {  	[sflag:s24] =	ssyncset.done $0x0  }
0x1c: {  	s26 =	simm.s32 $0x1B8E;
	s25 =	sld [smem:$0x3FFE];
	[sflag:s24] =	ssyncadd.s32 $0xFFFFFFFF  }
0x1d: {  	s27 =	simm.s32 $execute0_lowered;
	[smem:$0x3FD2] =	sst s26  }
0x1e: {  	s5 =	sshll.u32 s27, $0x1;
	_ =	strace $0x80000049;
	[dreg:$0x1] =	wrdreg $0xFFFFFFFF  }
0x1f: {  	s28 =	simm.s32 $_size_execute0_lowered;
	s3 =	sadd.s32 s3, s5;
	[dreg:$0x0] =	wrdreg $0x0  }
0x20: {  	s5 =	sshll.u32 s28, $0x1;
	[dreg:$0x2] =	wrdreg s3  }
0x21: {  	[dreg:$0x3] =	wrdreg s5  }
0x22: {  	[dreg:$0x4] =	wrdreg $0xC0  }
0x23: {  	_ =	task [dreg:s7], $0x5FFFF  }
0x24: {  	[dreg:$0x1] =	wrdreg $0xFFFFFFFF  }
0x25: {  	[dreg:$0x0] =	wrdreg $0x60  }
0x26: {  	[dreg:$0x2] =	wrdreg s25  }
0x27: {  	[dreg:$0x3] =	wrdreg s2  }
0x28: {  	[dreg:$0x4] =	wrdreg $0x9  }
0x29: {  	_ =	task.clear_ibuf [dreg:s7], $0x5FFFF;
	_ =	strace $0x90000049  }
0x2a: {  	s29 =	simm.s32 $0x9;
	_ =	strace $0x8000004B  }
0x2b: {  	_ =	swait.ge [sflag:s29], $0x1  }
0x2c: {  	[sflag:s29] =	ssyncadd.s32 $0xFFFFFFFF  }
0x2d: {  	_ =	strace $0x9000004B  }
0x2e: {  	_ =	sfence  }
0x2f: {  	s30 =	sld [smem:$0x0];
	_ =	sdelay $0x2  }
0x30: {  	s31 =	sshll.u32 s1, $0xD;
	s1 =	sshrl.u32 s1, $0x2  }
0x31: {  	s3 =	sand.u32 $0x4000, s31;
	s1 =	sadd.s32 s1, s30  }
0x32: {  	s0 =	sor.u32 s3, s0;
	s1 =	sshll.u32 s1, $0x11  }
0x33: {  	s0 =	sor.u32 s1, s0  }
0x34: {  	s0 =	sadd.s32 $0x8F2B, s0  }
0x35: {  	[sflag:s0] =	ssyncadd.remote.s32 $0x1  }
0x36: {  	_ =	sfence.sel $0xFFFF  }
0x37: {  	[dreg:$0x0] =	wrdreg $0xFFFFFFFF;
	(pc) =	sbr.abs _section_cstart, $3  }
0x38: {  	[dreg:$0x1] =	wrdreg $0xFFFFFFFF  }
0x39: {  	_ =	task.clear_ibuf [dreg:s7], $0x2FFFF;
	_ =	strace $0x9FFFFFFF  }
0x3a: {  	(tm) =	ssettm $0x7FFFFFFF  }
0x3b: {  	_ =	shalt  }
tec
execute0_lowered:
.L_overlay_start_1:
0x0: {  	(tag) =	ssettag $0x1  }
0x1: {  	s0 =	srdreg.scid  }
0x2: {  	s1 =	sshll.u32 s0, $0x4  }
0x3: {  	s0 =	stileid.u32;
	s1 =	sand.u32 $0x10, s1  }
0x4: {  	s1 =	sor.u32 s0, s1  }
0x5: {  	s6 =	rddreg [dreg:$0x0];
	s4 =	simm.s32 $0x1;
	s2 =	sshll.u32 s1, $0x7  }
0x6: {  	s7 =	simm.s32 $0x2;
	s12 =	simm.s32 $0x0;
	s1 =	ssub.s32 $0x1000, s2  }
0x7: {  	s8 =	simm.s32 $0x8000;
	s13 =	simm.s32 $0x0;
	s3 =	sand.u32 $0xF80, s1  }
0x8: {  	s9 =	simm.s32 $0x0;
	s5 =	sshrl.u32 s1, $0xC;
	p0 =	sne.s32 s3, $0x0  }
.Ltmp0:
0x9: {  	s1 =	rddreg [dreg:$0x2];
	s4 =	simm.s32 @!p0 $0x0;
	(pc) =	sbr.rel .LBB1_1-.Ltmp0, $4  }
0xa: {  	s11 =	simm.s32 $0x0;
	s3 =	rddreg [dreg:$0x1];
	s5 =	sadd.s32 s4, s5  }
0xb: {  	_ =	strace $0x8000004A;
	s4 =	simm.s32 $0x1;
	s5 =	smul.u32 $0xC8, s5  }
0xc: {  	s6 =	sadd.s32 $0xC00, s6;
	s10 =	smov.u32 s2;
	[sflag:s4] =	ssyncpa.u1 $0x0  }
0xd: {  	p0 =	por $0x0, $0x0;
	[sflag:s7] =	ssyncpa.u1 $0x0;
	s7 =	sor.u32 $0x1, s5  }
.LBB1_4:
0xe: {  	s16 =	sshll.u32 s13, $0x3;
	s17 =	sand.u32 $0x78, s13  }
0xf: {  	s30 =	sand.u32 $0x7E00, s13;
	s12 =	sshll.u32 s12, $0xF;
	s16 =	sand.u32 $0xC00, s16  }
0x10: {  	[tilespmem:s15+$0x810 ss:$0x81] =	vst.msk $0xffff, v2;
	s31 =	sand.u32 $0x7, s13;
	s16 =	sor.u32 s17, s16;
	s17 =	sadd.s32 s3, s30  }
0x11: {  	[tilespmem:s15+$0x1020 ss:$0x81] =	vst.msk $0xffff, v0;
	s13 =	sshll.u32 s31, $0x12;
	s12 =	sadd.s32 s12, s17;
	s16 =	sshrl.u32 s16, $0x3  }
0x12: {  	[tilespmem:s15+$0x0 ss:$0x81] =	vst.msk $0xffff, v1;
	s13 =	sor.u32 $0x400, s13;
	s12 =	sadd.s32 s16, s12  }
0x13: {  	[hbm4b:s12+s13] =	stream.strided.scatter [tilespmem:s14], [sflag:$0x2], $0x2000, s8, s13, $0x20;
	[tilespmem:$0x8080] =	vst v63  }
.LBB1_5:
0x14: {  	s14 =	sadd.s32 $0x1, s9  }
0x15: {  	s12 =	sadd.s32 $0x1000, s10;
	s16 =	smov.u32 s10;
	p2 =	sgt.s32 s14, $0xC7  }
0x16: {  	s16 =	smov.u32 @p2 s12  }
0x17: {  	s14 =	simm.s32 @p2 $0x0;
	p2 =	sgt.s32 s16, $0xFFF  }
0x18: {  	s16 =	smov.u32 @p2 s2;
	p2 =	sne.s32 s11, s7  }
.Ltmp1:
0x19: {  	p1 =	slt.u32 s11, $0x2;
	(pc) =	sbr.rel @!p2 .LBB1_6-.Ltmp1, $4  }
0x1a: {  	s15 =	simm.s32 @!p1 $0x2  }
0x1b: {  	s13 =	smov.u32 s10;
	p0 =	por !p0, !p0;
	_ =	swait.ge @!p1 [sflag:s15], $0x2000  }
0x1c: {  	s12 =	smov.u32 s9;
	[sflag:s15] =	ssyncset.done @!p1 $0x0;
	s9 =	smov.u32 s14  }
0x1d: {  	s11 =	sadd.s32 $0x1, s11;
	[sflag:s15] =	ssyncadd.s32 @!p1 $0xFFFFE000;
	s10 =	smov.u32 s16  }
.LBB1_1:
0x1e: {  	p1 =	sge.u32 s11, s5  }
0x1f: {  	s14 =	sand.u32 @!p1 $0x1FFFFFF, s9  }
0x20: {  	s15 =	smulhi.u32 @!p1 $0x147AE15, s14;
	_ =	sdelay $0x1  }
0x21: {  	s15 =	smul.u32 @!p1 $0xC8, s15  }
0x22: {  	s16 =	sxor.u32 @!p1 $0xFFFFFFFF, s11;
	s17 =	smul.u32 @!p1 $0xC80, s10  }
0x23: {  	s31 =	sadd.s32 $0xFFFFFFFF, s11;
	s16 =	sshll.u32 @!p1 s16, $0xD;
	s14 =	ssub.s32 @!p1 s14, s15  }
0x24: {  	s15 =	sand.u32 @!p1 $0x2000, s16;
	s16 =	sadd.s32 @!p1 s6, s17;
	s14 =	sshll.u32 @!p1 s14, $0x4  }
0x25: {  	s17 =	simm.s32 @!p1 $0x6400;
	s14 =	sadd.s32 @!p1 s14, s16;
	s16 =	simm.s32 @!p1 $0x40  }
0x26: {  	[tilespmem:s15], [sflag:$0x1] =	stream.strided.gather @!p1 [hbm4b:s14+s16], $0x2000, s17, s16, $0x38;
	[tilespmem:$0x8080] =	vst v63  }
0x27: {  	p1 =	sge.u32 s31, s5  }
.Ltmp2:
0x28: {  	_ = 	snop;
	(pc) =	sbr.rel @p1 .LBB1_5-.Ltmp2, $1  }
0x29: {  	_ =	sdelay $0x3  }
0x2a: {  	s14 =	simm.s32 $0x1  }
0x2b: {  	_ =	swait.ge [sflag:s4], $0x2000;
	s14 =	simm.s32 @!p0 $0x0  }
0x2c: {  	[sflag:s4] =	ssyncset.done $0x0;
	s15 =	sshll.u32 s14, $0xD  }
0x2d: {  	[sflag:s4] =	ssyncadd.s32 $0xFFFFE000;
	s18 =	sor.u32 $0x20, s15  }
0x2e: {  	s14 =	smul.u32 $0x8100, s14;
	v3 =	vld [tilespmem:s18+$0x10]  }
0x2f: {  	s30 =	sand.u32 $0x1, s11;
	v2 =	vld [tilespmem:s18+$0xFFFFFFF0]  }
0x30: {  	s15 =	smul.u32 $0x8100, s30;
	s14 =	sshrl.u32 s14, $0x2;
	v0 =	vld [tilespmem:s18+$0x0]  }
0x31: {  	v1 =	vld [tilespmem:s18+$0xFFFFFFE0];
	s16 =	sor.u32 $0x4000, s14  }
0x32: {  	s31 =	sshrl.u32 s15, $0x2;
	s15 =	sadd.s32 $0x0, s16  }
0x33: {  	s17 =	simm.s32 $0x4;
	s18 =	sadd.s32 $0x40, s18;
	s14 =	sor.u32 $0x4000, s31;
	[tilespmem:s15+$0x1830 ss:$0x81] =	vst.msk $0xffff, v3  }
.LBB1_3:
0x34: {  	v3 =	vld [tilespmem:s18+$0x10];
	p1 =	sne.s32 s17, $0x1FC;
	[tilespmem:s15+$0x810 ss:$0x81] =	vst.msk $0xffff, v2;
	s19 =	smov.u32 s17;
	s17 =	sadd.s32 $0x4, s17  }
.Ltmp3:
0x35: {  	v2 =	vld [tilespmem:s18+$0xFFFFFFF0];
	[tilespmem:s15+$0x1020 ss:$0x81] =	vst.msk $0xffff, v0;
	(pc) =	sbr.rel @p1 .LBB1_3-.Ltmp3, $4  }
0x36: {  	v0 =	vld [tilespmem:s18+$0x0];
	[tilespmem:s15+$0x0 ss:$0x81] =	vst.msk $0xffff, v1  }
0x37: {  	s15 =	sshra.s32 s19, $0x2;
	v1 =	vld [tilespmem:s18+$0xFFFFFFE0]  }
0x38: {  	s15 =	sadd.s32 s15, s16  }
0x39: {  	s18 =	sadd.s32 $0x40, s18;
	[tilespmem:s15+$0x1830 ss:$0x81] =	vst.msk $0xffff, v3  }
.Ltmp4:
0x3a: {  	_ = 	snop;
	(pc) =	sbr.rel .LBB1_4-.Ltmp4, $1  }
0x3b: {  	_ =	sdelay $0x3  }
.LBB1_6:
0x3c: {  	_ =	sfence.sel $0x180000  }
0x3d: {  	s2 =	simm.s32 $0x1;
	[bflag:$0x0] =	sbarrier.arrive $0xFFFF  }
0x3e: {  	s31 =	simm.s32 $0x2;
	[sflag:s2] =	ssyncpa.u1 $0x1  }
0x3f: {  	[sflag:s31] =	ssyncpa.u1 $0x1  }
0x40: {  	p0 =	sne.s32 s0, $0x0;
	_ =	strace $0x9000004A  }
0x41: {  	s0 =	sadd.s32 @!p0 $0x100000, s1;
	[bflag:$0x2] =	sbarrier.arrive $0xFFFF  }
0x42: {  	[sflag:s0] =	ssyncadd.tile.s32 @!p0 $0x1;
	_ =	shalt  }
.Lfunc_end1:
_tile_overlayer_lowered:
.L_overlay_start_2:
0x43: {  	(tag) =	ssettag $0x2  }
0x44: {  	s0 =	rddreg [dreg:$0x0];
	s2 =	stileid.u32  }
0x45: {  	s1 =	rddreg [dreg:$0x1];
	p0 =	sne.s32 s2, $0x0  }
0x46: {  	s3 =	rddreg [dreg:$0x2];
	[bflag:$0x3] =	sbarrier.arrive $0xFFFF;
	s2 =	simm.s32 @!p0 $0x1C01  }
0x47: {  	[timem:s3], [sflag:s2] =	dma.local @!p0 [hbm:s0], s1  }
0x48: {  	s0 =	simm.s32 @!p0 $0x1  }
0x49: {  	_ =	swait.ge @!p0 [sflag:s0], s1  }
0x4a: {  	s1 =	ssub.s32 @!p0 $0x0, s1;
	[sflag:s0] =	ssyncset.done @!p0 $0x0  }
0x4b: {  	[sflag:s0] =	ssyncadd.s32 @!p0 s1  }
0x4c: {  	[bflag:$0x3] =	sbarrier.arrive $0xFFFF  }
0x4d: {  	_ =	shalt  }

</sc_bundles>
